<compile_context>
chip_gen: v7x
topology: tpu7x:2x2x1
jax: 0.10.2.dev20260603
libtpu: 0.0.44.dev20260713+nightly
codegen_flags: <defaults>
</compile_context>

<pallas_src>
import functools

import jax
import jax.numpy as jnp
from jax import lax
from jax.experimental import pallas as pl
from jax.experimental.pallas import tpu as pltpu
from jax.experimental.pallas import tpu_sc as plsc

_N = 10000
_E = 320000
_D = 128
_H = 32
_NP = 10240
_NROW = _NP // 128
_NWORK = 32
_CHUNK = 128
_EPW = 10112
_EPAD = _NWORK * _EPW
_NCHUNK = _EPW // _CHUNK
_ROWS_PS = _NP // 16


def _segsum_sc(table, idxp, zrows, width, k0):
    mesh = plsc.VectorSubcoreMesh(core_axis_name="c", subcore_axis_name="s")
    k1 = 2 * _NCHUNK - k0

    @functools.partial(
        pl.kernel,
        out_type=jax.ShapeDtypeStruct((2, _NP, width), jnp.float32),
        mesh=mesh,
        compiler_params=pltpu.CompilerParams(use_tc_tiling_on_sc=False),
        scratch_types=[
            pltpu.VMEM((3, 2, _CHUNK), jnp.int32),
            pltpu.VMEM((2, _CHUNK, width), jnp.float32),
            pltpu.VMEM_SHARED((_NP, width), jnp.float32),
            pltpu.SemaphoreType.DMA,
            pltpu.SemaphoreType.DMA,
            pltpu.SemaphoreType.DMA,
        ],
    )
    def k(table_hbm, idx_hbm, zero_hbm, out_hbm, ib, rows, acc, sem_i, sem_g, sem_s):
        c = lax.axis_index("c")
        s = lax.axis_index("s")
        r0 = s * _ROWS_PS
        pltpu.sync_copy(zero_hbm.at[pl.ds(r0, _ROWS_PS)], acc.at[pl.ds(r0, _ROWS_PS)])
        plsc.subcore_barrier()
        bc = jnp.where(c == 0, s * k0, 16 * k0 + s * k1)
        nch = jnp.where(c == 0, k0, k1)

        pltpu.async_copy(idx_hbm.at[bc], ib.at[0], sem_i)
        pltpu.make_async_copy(idx_hbm.at[bc], ib.at[0], sem_i).wait()
        pltpu.async_copy(table_hbm.at[ib.at[0, 0]], rows.at[0], sem_g)
        pltpu.async_copy(idx_hbm.at[bc + 1], ib.at[1], sem_i)

        def body(k_, carry):
            p = lax.rem(k_, 2)
            i3 = lax.rem(k_, 3)
            pltpu.make_async_copy(table_hbm.at[ib.at[i3, 0]], rows.at[p], sem_g).wait()
            pltpu.async_copy(rows.at[p], acc.at[ib.at[i3, 1]], sem_s, add=True)

            @pl.when(k_ >= 1)
            def _():
                pn = lax.rem(k_ + 1, 2)
                i3m = lax.rem(k_ + 2, 3)
                pltpu.make_async_copy(rows.at[pn], acc.at[ib.at[i3m, 1]], sem_s).wait()

            @pl.when(k_ + 2 < nch)
            def _():
                i3p2 = lax.rem(k_ + 2, 3)
                pltpu.async_copy(idx_hbm.at[bc + k_ + 2], ib.at[i3p2], sem_i)

            @pl.when(k_ + 1 < nch)
            def _():
                pn = lax.rem(k_ + 1, 2)
                i3p = lax.rem(k_ + 1, 3)
                pltpu.make_async_copy(idx_hbm.at[bc + k_ + 1], ib.at[i3p], sem_i).wait()
                pltpu.async_copy(table_hbm.at[ib.at[i3p, 0]], rows.at[pn], sem_g)

            return carry

        lax.fori_loop(0, nch, body, 0)
        pltpu.make_async_copy(
            rows.at[lax.rem(nch - 1, 2)],
            acc.at[ib.at[lax.rem(nch - 1, 3), 1]], sem_s).wait()
        plsc.subcore_barrier()
        pltpu.sync_copy(acc.at[pl.ds(r0, _ROWS_PS)], out_hbm.at[c, pl.ds(r0, _ROWS_PS)])

    return k(table, idxp, zrows)


def _tc_mid(x, p0, p1, W1a, b1a, W1b, b1b):
    def body(x_ref, p0_ref, p1_ref, w1a_ref, b1a_ref, w1b_ref, b1b_ref, o_ref):
        z = x_ref[...] + (p0_ref[...] + p1_ref[...])
        a = jnp.maximum(jnp.dot(z, w1a_ref[...],
                                preferred_element_type=jnp.float32) + b1a_ref[...], 0.0)
        h = jnp.dot(a, w1b_ref[...], preferred_element_type=jnp.float32) + b1b_ref[...]
        o_ref[...] = jnp.maximum(h, 0.0)

    return pl.pallas_call(
        body,
        out_shape=jax.ShapeDtypeStruct((_NP, _H), jnp.float32),
    )(x, p0, p1, W1a, b1a, W1b, b1b)


def _tc_scores(rh, p0, p1, W2a, b2a, W2b, b2b):
    def body(rh_ref, p0_ref, p1_ref, w2a_ref, b2a_ref, w2b_ref, b2b_ref, o_ref):
        z = rh_ref[...] + (p0_ref[...] + p1_ref[...])
        g = jnp.maximum(jnp.dot(z, w2a_ref[...],
                                preferred_element_type=jnp.float32) + b2a_ref[...], 0.0)
        raw = jnp.dot(g, w2b_ref[...], preferred_element_type=jnp.float32) + b2b_ref[...]
        o_ref[...] = jax.nn.sigmoid(raw)

    return pl.pallas_call(
        body,
        out_shape=jax.ShapeDtypeStruct((_NP, 1), jnp.float32),
    )(rh, p0, p1, W2a, b2a, W2b, b2b)


def _tc_keys(s2, n2, bf2):
    def body(s_ref, n_ref, b_ref, o_ref):
        v = s_ref[...] + n_ref[...]
        row = lax.broadcasted_iota(jnp.int32, (_NROW, 128), 0)
        lane = lax.broadcasted_iota(jnp.int32, (_NROW, 128), 1)
        valid = (row * 128 + lane) < _N
        mn = jnp.min(jnp.where(valid, v, jnp.inf))
        mx = jnp.max(jnp.where(valid, v, -jnp.inf))
        rng = mx - mn
        norm = v - mn
        norm = jnp.where(rng > 0, norm / (rng + 1e-5), norm)
        o_ref[...] = jnp.where(valid, b_ref[...] + norm, 1e9)

    return pl.pallas_call(
        body,
        out_shape=jax.ShapeDtypeStruct((_NROW, 128), jnp.float32),
    )(s2, n2, bf2)


def _tc_ranks_perm(keys2, lo, hi, plo, phi):
    def body(keys_ref, lo_ref, hi_ref, plo_ref, phi_ref, o_ref, ranks_s):
        pid = pl.program_id(0)
        iota_s = lax.broadcasted_iota(jnp.int32, (128, 128), 0)
        iota_l = lax.broadcasted_iota(jnp.int32, (128, 128), 1)
        eye = iota_s == iota_l

        @pl.when(pid < _NROW)
        def _():
            bi = pid
            ki_row = keys_ref[pl.ds(bi, 1), :]
            ki_col = jnp.sum(jnp.where(eye, ki_row, 0.0), axis=1, keepdims=True)
            gi = bi * 128 + lax.broadcasted_iota(jnp.int32, (128, 1), 0)

            def jbody(jc, acc):
                kj = keys_ref[pl.ds(jc, 1), :]
                gj = jc * 128 + lax.broadcasted_iota(jnp.int32, (1, 128), 1)
                lt = kj < ki_col
                tie = (kj == ki_col) & (gj < gi)
                m = jnp.where(lt | tie, 1.0, 0.0)
                return acc + jnp.sum(m, axis=1, keepdims=True)

            acc0 = jnp.full((128, 1), 128.0) * lo_ref[bi].astype(jnp.float32)
            acc = lax.fori_loop(lo_ref[bi], hi_ref[bi], jbody, acc0)
            row = jnp.sum(jnp.where(eye, acc, 0.0), axis=0, keepdims=True)
            ranks_s[pl.ds(bi, 1), :] = row.astype(jnp.int32)

        @pl.when(pid >= _NROW)
        def _():
            bp = pid - _NROW
            prow = bp * 128 + lax.broadcasted_iota(jnp.int32, (1, 128), 1)

            def ibody(bi, acc):
                rrow = ranks_s[pl.ds(bi, 1), :]
                rcol = jnp.sum(jnp.where(eye, rrow, 0), axis=1, keepdims=True)
                gcol = bi * 128 + lax.broadcasted_iota(jnp.int32, (128, 1), 0)
                match = rcol == prow
                return acc + jnp.sum(jnp.where(match, gcol, 0),
                                     axis=0, keepdims=True)

            acc = lax.fori_loop(plo_ref[bp], phi_ref[bp], ibody,
                                jnp.zeros((1, 128), jnp.int32))
            o_ref[...] = acc.reshape(1, 1, 128)

    return pl.pallas_call(
        body,
        grid=(2 * _NROW,),
        in_specs=[
            pl.BlockSpec((_NROW, 128), lambda i: (0, 0)),
            pl.BlockSpec(memory_space=pltpu.SMEM),
            pl.BlockSpec(memory_space=pltpu.SMEM),
            pl.BlockSpec(memory_space=pltpu.SMEM),
            pl.BlockSpec(memory_space=pltpu.SMEM),
        ],
        out_specs=pl.BlockSpec((1, 1, 128),
                               lambda i: (jnp.maximum(i - _NROW, 0), 0, 0)),
        out_shape=jax.ShapeDtypeStruct((_NROW, 1, 128), jnp.int32),
        scratch_shapes=[pltpu.VMEM((_NROW, 128), jnp.int32)],
    )(keys2, lo, hi, plo, phi)


def kernel(x, edge_index, batch, W1a, b1a, W1b, b1b, W2a, b2a, W2b, b2b):
    src = edge_index[0].astype(jnp.int32)
    dst = edge_index[1].astype(jnp.int32)
    srcp = jnp.concatenate([src, jnp.zeros((_EPAD - _E,), jnp.int32)])
    dstp = jnp.concatenate([dst, jnp.full((_EPAD - _E,), _NP - 1, jnp.int32)])
    idxp = jnp.stack([srcp.reshape(-1, _CHUNK), dstp.reshape(-1, _CHUNK)], axis=1)
    x_pad = jnp.pad(x, ((0, _NP - _N), (0, 0)))
    zrowsD = jnp.zeros((_NP, _D), jnp.float32)
    zrowsH = jnp.zeros((_NP, _H), jnp.float32)

    p1 = _segsum_sc(x_pad, idxp, zrowsD, _D, 127)
    rh = _tc_mid(x_pad, p1[0], p1[1], W1a, b1a.reshape(1, _H), W1b,
                 b1b.reshape(1, _H))
    p2 = _segsum_sc(rh, idxp, zrowsH, _H, 99)
    scoresA = _tc_scores(rh, p2[0], p2[1], W2a, b2a.reshape(1, _H), W2b,
                         b2b.reshape(1, 1))

    s2 = scoresA.reshape(_NROW, 128)
    noise = jax.random.uniform(jax.random.key(42), (_N,), dtype=jnp.float32) * 1e-05
    n2 = jnp.pad(noise, (0, _NP - _N)).reshape(_NROW, 128)
    batch_pad = jnp.concatenate([batch.astype(jnp.int32),
                                 jnp.full((_NP - _N,), 127, jnp.int32)])
    bf2 = batch_pad.astype(jnp.float32).reshape(_NROW, 128)
    keys2 = _tc_keys(s2, n2, bf2)

    bp2 = batch_pad.reshape(_NROW, 128)
    bmin, bmax = bp2[:, 0], bp2[:, 127]
    lo = jnp.sum((bmax[None, :] < bmin[:, None]), axis=1).astype(jnp.int32)
    hi = jnp.sum((bmin[None, :] <= bmax[:, None]), axis=1).astype(jnp.int32)
    plo = jnp.sum((hi[None, :] <= jnp.arange(_NROW)[:, None]), axis=1).astype(jnp.int32)
    phi = jnp.sum((lo[None, :] <= jnp.arange(_NROW)[:, None]), axis=1).astype(jnp.int32)
    perm3 = _tc_ranks_perm(keys2, lo, hi, plo, phi)

    perm = perm3.reshape(_NP)[:_N]
    scores = scoresA.reshape(_NP)[:_N]
    return (perm, scores)

# --- scband reference (transcript-rebuilt; emitter-appended) ---
"""Pipeline reference for scband-learned-ordering-70540542869855 (READ-ONLY COPY).

The authoritative reference and input builder live on the scoring server;
editing this copy changes nothing except your own understanding.
"""

import jax, jax.numpy as jnp
import numpy as np

N = 10000
E = 320000
D = 128
H = 32
NUM_GRAPHS = 64


def setup_inputs(seed: int = 0) -> dict:
    key = jax.random.key(seed)
    ks = jax.random.split(key, 8)
    x = jax.random.normal(ks[0], (N, D), dtype=jnp.float32)
    edge_index = jax.random.randint(ks[1], (2, E), 0, N)
    batch = jnp.sort(jax.random.randint(ks[2], (N,), 0, NUM_GRAPHS))
    # GINEncoder params: 2 GIN layers, each with a 2-layer MLP (Linear->ReLU->Linear)
    W1a = jax.random.normal(ks[3], (D, H), dtype=jnp.float32) * (1.0 / np.sqrt(D))
    b1a = jnp.zeros((H,), dtype=jnp.float32)
    W1b = jax.random.normal(ks[4], (H, H), dtype=jnp.float32) * (1.0 / np.sqrt(H))
    b1b = jnp.zeros((H,), dtype=jnp.float32)
    W2a = jax.random.normal(ks[5], (H, H), dtype=jnp.float32) * (1.0 / np.sqrt(H))
    b2a = jnp.zeros((H,), dtype=jnp.float32)
    W2b = jax.random.normal(ks[6], (H, 1), dtype=jnp.float32) * (1.0 / np.sqrt(H))
    b2b = jnp.zeros((1,), dtype=jnp.float32)
    return {"x": x, "edge_index": edge_index, "batch": batch,
            "W1a": W1a, "b1a": b1a, "W1b": W1b, "b1b": b1b,
            "W2a": W2a, "b2a": b2a, "W2b": W2b, "b2b": b2b}


def _gin_layer(x, src, dst, Wa, ba, Wb, bb):
    # GIN: h_i = MLP((1+eps)*x_i + sum_{j->i} x_j), eps=0 (default, untrained)
    agg = jax.ops.segment_sum(x[src], dst, num_segments=N)
    h = x + agg
    h = jnp.maximum(h @ Wa + ba, 0.0)
    h = h @ Wb + bb
    return h


def reference(x, edge_index, batch, W1a, b1a, W1b, b1b, W2a, b2a, W2b, b2b):
    src = edge_index[0]
    dst = edge_index[1]
    h = _gin_layer(x, src, dst, W1a, b1a, W1b, b1b)
    h = jnp.maximum(h, 0.0)  # inter-layer activation
    h2 = _gin_layer(h, src, dst, W2a, b2a, W2b, b2b)
    raw_scores = h2[:, 0]
    scores = jax.nn.sigmoid(raw_scores)
    noise = jax.random.uniform(jax.random.key(42), (N,), dtype=jnp.float32) * 1e-05
    noisy_scores = scores + noise  # descending=False
    norm_scores = noisy_scores - jnp.min(noisy_scores)
    max_score = jnp.max(norm_scores)
    norm_scores = jnp.where(max_score > 0, norm_scores / (max_score + 1e-05), norm_scores)
    batch_scores = batch.astype(jnp.float32) + norm_scores
    perm = jnp.argsort(batch_scores)
    return (perm, scores)

if __name__ == "__main__":
    import jax
    _d = setup_inputs()
    print(jax.jit(kernel)(*tuple(_d.values())))

</pallas_src>

<mosaic_0001>
#map = affine_map<(d0, d1) -> (0, 0)>
#map1 = affine_map<(d0, d1) -> (0, 0, 0)>
module attributes {stable_mosaic.version = 14 : i64} {
  func.func @k(%arg0: i32, %arg1: i32, %arg2: memref<10240x32xf32, #tpu.memory_space<hbm>>, %arg3: memref<2528x2x128xi32, #tpu.memory_space<hbm>>, %arg4: memref<10240x32xf32, #tpu.memory_space<hbm>>, %arg5: memref<2x10240x32xf32, #tpu.memory_space<hbm>>, %arg6: memref<3x2x128xi32, #tpu.memory_space<vmem>>, %arg7: memref<2x128x32xf32, #tpu.memory_space<vmem>>, %arg8: memref<10240x32xf32, #tpu.memory_space<vmem_shared>>, %arg9: memref<!tpu.dma_semaphore, #tpu.memory_space<semaphore_mem>>, %arg10: memref<!tpu.dma_semaphore, #tpu.memory_space<semaphore_mem>>, %arg11: memref<!tpu.dma_semaphore, #tpu.memory_space<semaphore_mem>>) attributes {dimension_semantics = [#tpu.dimension_semantics<core_parallel>, #tpu.dimension_semantics<subcore_parallel>], iteration_bounds = array<i64: 2, 16>, scalar_prefetch = 0 : i64, scratch_operands = 6 : i64, tpu.core_type = #tpu.core_type<sc_vector_subcore>, window_params = [{transform_indices = #map}, {transform_indices = #map1}, {transform_indices = #map}, {transform_indices = #map1}]} {
    %mul3A = arith.constant 640 : i32
    %mul3A_0 = arith.muli %arg1, %mul3A : i32
    "tpu.region"() ({
      %run_scoped3A = tpu.sem_alloc : memref<!tpu.dma_semaphore, #tpu.memory_space<semaphore_mem>>
      %dma_start3A_102 = arith.constant 0 : i32
      %dma_start3A_103 = tpu.memref_slice %arg8[%mul3A_0, %dma_start3A_102] : memref<10240x32xf32, #tpu.memory_space<vmem_shared>> -> memref<640x32xf32, #tpu.memory_space<vmem_shared>>
      %dma_start3A_104 = arith.constant 0 : i32
      %dma_start3A_105 = tpu.memref_slice %arg4[%mul3A_0, %dma_start3A_104] : memref<10240x32xf32, #tpu.memory_space<hbm>> -> memref<640x32xf32, #tpu.memory_space<hbm>>
      tpu.enqueue_dma source(%dma_start3A_105 : memref<640x32xf32, #tpu.memory_space<hbm>>) target(%dma_start3A_103 : memref<640x32xf32, #tpu.memory_space<vmem_shared>>) target_semaphore(%run_scoped3A : memref<!tpu.dma_semaphore, #tpu.memory_space<semaphore_mem>>)
      %dma_wait3A_106 = arith.constant 0 : i32
      %dma_wait3A_107 = tpu.memref_slice %arg8[%mul3A_0, %dma_wait3A_106] : memref<10240x32xf32, #tpu.memory_space<vmem_shared>> -> memref<640x32xf32, #tpu.memory_space<vmem_shared>>
      %dma_wait3A_108 = arith.constant 0 : i32
      %dma_wait3A_109 = tpu.memref_slice %arg4[%mul3A_0, %dma_wait3A_108] : memref<10240x32xf32, #tpu.memory_space<hbm>> -> memref<640x32xf32, #tpu.memory_space<hbm>>
      tpu.wait_dma2 semaphore(%run_scoped3A : memref<!tpu.dma_semaphore, #tpu.memory_space<semaphore_mem>>) src(%dma_wait3A_109 : memref<640x32xf32, #tpu.memory_space<hbm>>) dst(%dma_wait3A_107 : memref<640x32xf32, #tpu.memory_space<vmem_shared>>)
      tpu.yield
    }) : () -> ()
    %barrier3A = arith.constant 0 : index
    tpu.barrier barrier_id(%barrier3A)
    %eq3A = arith.constant 0 : i32
    %eq3A_1 = arith.cmpi eq, %arg0, %eq3A : i32
    %mul3A_2 = arith.constant 99 : i32
    %mul3A_3 = arith.muli %arg1, %mul3A_2 : i32
    %mul3A_4 = arith.constant 59 : i32
    %mul3A_5 = arith.muli %arg1, %mul3A_4 : i32
    %add3A = arith.constant 1584 : i32
    %add3A_6 = arith.addi %add3A, %mul3A_5 : i32
    %select_n3A = arith.select %eq3A_1, %mul3A_3, %add3A_6 : i32
    %eq3A_7 = arith.constant 0 : i32
    %eq3A_8 = arith.cmpi eq, %arg0, %eq3A_7 : i32
    %jit3A = arith.constant 99 : i32
    %jit3A_9 = arith.constant 59 : i32
    %select_n3A_10 = arith.select %eq3A_8, %jit3A, %jit3A_9 : i32
    %dma_start3A = arith.constant 0 : i32
    %dma_start3A_11 = arith.constant 0 : i32
    %dma_start3A_12 = arith.constant 0 : i32
    %dma_start3A_13 = tpu.memref_slice %arg6[%dma_start3A, %dma_start3A_11, %dma_start3A_12] : memref<3x2x128xi32, #tpu.memory_space<vmem>> -> memref<1x2x128xi32, #tpu.memory_space<vmem>>
    %dma_start3A_14 = tpu.memref_squeeze %dma_start3A_13 : memref<1x2x128xi32, #tpu.memory_space<vmem>> -> memref<2x128xi32, #tpu.memory_space<vmem>>
    %dma_start3A_15 = arith.constant 0 : i32
    %dma_start3A_16 = arith.constant 0 : i32
    %dma_start3A_17 = tpu.memref_slice %arg3[%select_n3A, %dma_start3A_15, %dma_start3A_16] : memref<2528x2x128xi32, #tpu.memory_space<hbm>> -> memref<1x2x128xi32, #tpu.memory_space<hbm>>
    %dma_start3A_18 = tpu.memref_squeeze %dma_start3A_17 : memref<1x2x128xi32, #tpu.memory_space<hbm>> -> memref<2x128xi32, #tpu.memory_space<hbm>>
    %dma_start3A_19 = arith.constant 0 : i32
    %dma_start3A_20 = arith.constant 0 : i32
    %dma_start3A_21 = tpu.memref_slice %arg6[%dma_start3A, %dma_start3A_19, %dma_start3A_20] : memref<3x2x128xi32, #tpu.memory_space<vmem>> -> memref<1x2x128xi32, #tpu.memory_space<vmem>>
    %dma_start3A_22 = tpu.memref_squeeze %dma_start3A_21 : memref<1x2x128xi32, #tpu.memory_space<vmem>> -> memref<2x128xi32, #tpu.memory_space<vmem>>
    %dma_start3A_23 = arith.constant 0 : i32
    %dma_start3A_24 = arith.constant 0 : i32
    %dma_start3A_25 = tpu.memref_slice %arg3[%select_n3A, %dma_start3A_23, %dma_start3A_24] : memref<2528x2x128xi32, #tpu.memory_space<hbm>> -> memref<1x2x128xi32, #tpu.memory_space<hbm>>
    %dma_start3A_26 = tpu.memref_squeeze %dma_start3A_25 : memref<1x2x128xi32, #tpu.memory_space<hbm>> -> memref<2x128xi32, #tpu.memory_space<hbm>>
    tpu.enqueue_dma source(%dma_start3A_26 : memref<2x128xi32, #tpu.memory_space<hbm>>) target(%dma_start3A_22 : memref<2x128xi32, #tpu.memory_space<vmem>>) target_semaphore(%arg9 : memref<!tpu.dma_semaphore, #tpu.memory_space<semaphore_mem>>)
    %dma_wait3A = arith.constant 0 : i32
    %dma_wait3A_27 = arith.constant 0 : i32
    %dma_wait3A_28 = arith.constant 0 : i32
    %dma_wait3A_29 = tpu.memref_slice %arg6[%dma_wait3A, %dma_wait3A_27, %dma_wait3A_28] : memref<3x2x128xi32, #tpu.memory_space<vmem>> -> memref<1x2x128xi32, #tpu.memory_space<vmem>>
    %dma_wait3A_30 = tpu.memref_squeeze %dma_wait3A_29 : memref<1x2x128xi32, #tpu.memory_space<vmem>> -> memref<2x128xi32, #tpu.memory_space<vmem>>
    %dma_wait3A_31 = arith.constant 0 : i32
    %dma_wait3A_32 = arith.constant 0 : i32
    %dma_wait3A_33 = tpu.memref_slice %arg3[%select_n3A, %dma_wait3A_31, %dma_wait3A_32] : memref<2528x2x128xi32, #tpu.memory_space<hbm>> -> memref<1x2x128xi32, #tpu.memory_space<hbm>>
    %dma_wait3A_34 = tpu.memref_squeeze %dma_wait3A_33 : memref<1x2x128xi32, #tpu.memory_space<hbm>> -> memref<2x128xi32, #tpu.memory_space<hbm>>
    %dma_wait3A_35 = arith.constant 0 : i32
    %dma_wait3A_36 = arith.constant 0 : i32
    %dma_wait3A_37 = tpu.memref_slice %arg6[%dma_wait3A, %dma_wait3A_35, %dma_wait3A_36] : memref<3x2x128xi32, #tpu.memory_space<vmem>> -> memref<1x2x128xi32, #tpu.memory_space<vmem>>
    %dma_wait3A_38 = tpu.memref_squeeze %dma_wait3A_37 : memref<1x2x128xi32, #tpu.memory_space<vmem>> -> memref<2x128xi32, #tpu.memory_space<vmem>>
    %dma_wait3A_39 = arith.constant 0 : i32
    %dma_wait3A_40 = arith.constant 0 : i32
    %dma_wait3A_41 = tpu.memref_slice %arg3[%select_n3A, %dma_wait3A_39, %dma_wait3A_40] : memref<2528x2x128xi32, #tpu.memory_space<hbm>> -> memref<1x2x128xi32, #tpu.memory_space<hbm>>
    %dma_wait3A_42 = tpu.memref_squeeze %dma_wait3A_41 : memref<1x2x128xi32, #tpu.memory_space<hbm>> -> memref<2x128xi32, #tpu.memory_space<hbm>>
    tpu.wait_dma2 semaphore(%arg9 : memref<!tpu.dma_semaphore, #tpu.memory_space<semaphore_mem>>) src(%dma_wait3A_42 : memref<2x128xi32, #tpu.memory_space<hbm>>) dst(%dma_wait3A_38 : memref<2x128xi32, #tpu.memory_space<vmem>>)
    %dma_start3A_43 = arith.constant 0 : i32
    %dma_start3A_44 = arith.constant 0 : i32
    %dma_start3A_45 = arith.constant 0 : i32
    %dma_start3A_46 = arith.constant 0 : i32
    %dma_start3A_47 = arith.constant 0 : i32
    %dma_start3A_48 = tpu.memref_slice %arg7[%dma_start3A_45, %dma_start3A_46, %dma_start3A_47] : memref<2x128x32xf32, #tpu.memory_space<vmem>> -> memref<1x128x32xf32, #tpu.memory_space<vmem>>
    %dma_start3A_49 = tpu.memref_squeeze %dma_start3A_48 : memref<1x128x32xf32, #tpu.memory_space<vmem>> -> memref<128x32xf32, #tpu.memory_space<vmem>>
    %dma_start3A_50 = arith.constant 0 : i32
    %dma_start3A_51 = tpu.memref_slice %arg6[%dma_start3A_43, %dma_start3A_44, %dma_start3A_50] : memref<3x2x128xi32, #tpu.memory_space<vmem>> -> memref<1x1x128xi32, #tpu.memory_space<vmem>>
    %dma_start3A_52 = tpu.memref_squeeze %dma_start3A_51 : memref<1x1x128xi32, #tpu.memory_space<vmem>> -> memref<128xi32, #tpu.memory_space<vmem>>
    %dma_start3A_53 = arith.constant 0 : i32
    %dma_start3A_54 = arith.constant 0 : i32
    %dma_start3A_55 = tpu.memref_slice %arg2[%dma_start3A_53, %dma_start3A_54] : memref<10240x32xf32, #tpu.memory_space<hbm>> -> memref<10240x32xf32, #tpu.memory_space<hbm>>
    tpu.enqueue_indirect_dma source(%dma_start3A_55 : memref<10240x32xf32, #tpu.memory_space<hbm>>) target(%dma_start3A_49 : memref<128x32xf32, #tpu.memory_space<vmem>>) offsets(%dma_start3A_52 : memref<128xi32, #tpu.memory_space<vmem>>) semaphore(%arg10 : memref<!tpu.dma_semaphore, #tpu.memory_space<semaphore_mem>>)
    %add3A_56 = arith.constant 1 : i32
    %add3A_57 = arith.addi %select_n3A, %add3A_56 : i32
    %dma_start3A_58 = arith.constant 1 : i32
    %dma_start3A_59 = arith.constant 0 : i32
    %dma_start3A_60 = arith.constant 0 : i32
    %dma_start3A_61 = tpu.memref_slice %arg6[%dma_start3A_58, %dma_start3A_59, %dma_start3A_60] : memref<3x2x128xi32, #tpu.memory_space<vmem>> -> memref<1x2x128xi32, #tpu.memory_space<vmem>>
    %dma_start3A_62 = tpu.memref_squeeze %dma_start3A_61 : memref<1x2x128xi32, #tpu.memory_space<vmem>> -> memref<2x128xi32, #tpu.memory_space<vmem>>
    %dma_start3A_63 = arith.constant 0 : i32
    %dma_start3A_64 = arith.constant 0 : i32
    %dma_start3A_65 = tpu.memref_slice %arg3[%add3A_57, %dma_start3A_63, %dma_start3A_64] : memref<2528x2x128xi32, #tpu.memory_space<hbm>> -> memref<1x2x128xi32, #tpu.memory_space<hbm>>
    %dma_start3A_66 = tpu.memref_squeeze %dma_start3A_65 : memref<1x2x128xi32, #tpu.memory_space<hbm>> -> memref<2x128xi32, #tpu.memory_space<hbm>>
    %dma_start3A_67 = arith.constant 0 : i32
    %dma_start3A_68 = arith.constant 0 : i32
    %dma_start3A_69 = tpu.memref_slice %arg6[%dma_start3A_58, %dma_start3A_67, %dma_start3A_68] : memref<3x2x128xi32, #tpu.memory_space<vmem>> -> memref<1x2x128xi32, #tpu.memory_space<vmem>>
    %dma_start3A_70 = tpu.memref_squeeze %dma_start3A_69 : memref<1x2x128xi32, #tpu.memory_space<vmem>> -> memref<2x128xi32, #tpu.memory_space<vmem>>
    %dma_start3A_71 = arith.constant 0 : i32
    %dma_start3A_72 = arith.constant 0 : i32
    %dma_start3A_73 = tpu.memref_slice %arg3[%add3A_57, %dma_start3A_71, %dma_start3A_72] : memref<2528x2x128xi32, #tpu.memory_space<hbm>> -> memref<1x2x128xi32, #tpu.memory_space<hbm>>
    %dma_start3A_74 = tpu.memref_squeeze %dma_start3A_73 : memref<1x2x128xi32, #tpu.memory_space<hbm>> -> memref<2x128xi32, #tpu.memory_space<hbm>>
    tpu.enqueue_dma source(%dma_start3A_74 : memref<2x128xi32, #tpu.memory_space<hbm>>) target(%dma_start3A_70 : memref<2x128xi32, #tpu.memory_space<vmem>>) target_semaphore(%arg9 : memref<!tpu.dma_semaphore, #tpu.memory_space<semaphore_mem>>)
    %while3A = arith.constant 0 : i32
    %while3A_75 = arith.constant 0 : i32
    %while3A_76 = arith.subi %select_n3A_10, %while3A_75 : i32
    %while3A_77 = arith.addi %while3A_75, %while3A_76 : i32
    %while3A_78 = arith.constant 1 : i32
    %while3A_79 = arith.divsi %while3A_76, %while3A_78 : i32
    %while3A_80 = arith.muli %while3A_79, %while3A_78 : i32
    %while3A_81 = arith.addi %while3A_75, %while3A_80 : i32
    %while3A_82 = arith.constant 1 : i32
    scf.for %while3A_102 = %while3A_75 to %while3A_81 step %while3A_82  : i32 {
      %rem3A_103 = arith.constant 2 : i32
      %rem3A_104 = arith.remsi %while3A_102, %rem3A_103 : i32
      %rem3A_105 = arith.constant 3 : i32
      %rem3A_106 = arith.remsi %while3A_102, %rem3A_105 : i32
      %dma_wait3A_107 = arith.constant 0 : i32
      %dma_wait3A_108 = arith.constant 0 : i32
      %dma_wait3A_109 = arith.constant 0 : i32
      %dma_wait3A_110 = tpu.memref_slice %arg7[%rem3A_104, %dma_wait3A_108, %dma_wait3A_109] : memref<2x128x32xf32, #tpu.memory_space<vmem>> -> memref<1x128x32xf32, #tpu.memory_space<vmem>>
      %dma_wait3A_111 = tpu.memref_squeeze %dma_wait3A_110 : memref<1x128x32xf32, #tpu.memory_space<vmem>> -> memref<128x32xf32, #tpu.memory_space<vmem>>
      %dma_wait3A_112 = arith.constant 0 : i32
      %dma_wait3A_113 = tpu.memref_slice %arg6[%rem3A_106, %dma_wait3A_107, %dma_wait3A_112] : memref<3x2x128xi32, #tpu.memory_space<vmem>> -> memref<1x1x128xi32, #tpu.memory_space<vmem>>
      %dma_wait3A_114 = tpu.memref_squeeze %dma_wait3A_113 : memref<1x1x128xi32, #tpu.memory_space<vmem>> -> memref<128xi32, #tpu.memory_space<vmem>>
      %dma_wait3A_115 = arith.constant 0 : i32
      %dma_wait3A_116 = arith.constant 0 : i32
      %dma_wait3A_117 = tpu.memref_slice %arg2[%dma_wait3A_115, %dma_wait3A_116] : memref<10240x32xf32, #tpu.memory_space<hbm>> -> memref<10240x32xf32, #tpu.memory_space<hbm>>
      tpu.wait_indirect_dma semaphore(%arg10 : memref<!tpu.dma_semaphore, #tpu.memory_space<semaphore_mem>>) src(%dma_wait3A_117 : memref<10240x32xf32, #tpu.memory_space<hbm>>) dst(%dma_wait3A_111 : memref<128x32xf32, #tpu.memory_space<vmem>>)
      %dma_start3A_118 = arith.constant 1 : i32
      %dma_start3A_119 = arith.constant 0 : i32
      %dma_start3A_120 = arith.constant 0 : i32
      %dma_start3A_121 = tpu.memref_slice %arg7[%rem3A_104, %dma_start3A_119, %dma_start3A_120] : memref<2x128x32xf32, #tpu.memory_space<vmem>> -> memref<1x128x32xf32, #tpu.memory_space<vmem>>
      %dma_start3A_122 = tpu.memref_squeeze %dma_start3A_121 : memref<1x128x32xf32, #tpu.memory_space<vmem>> -> memref<128x32xf32, #tpu.memory_space<vmem>>
      %dma_start3A_123 = arith.constant 0 : i32
      %dma_start3A_124 = tpu.memref_slice %arg6[%rem3A_106, %dma_start3A_118, %dma_start3A_123] : memref<3x2x128xi32, #tpu.memory_space<vmem>> -> memref<1x1x128xi32, #tpu.memory_space<vmem>>
      %dma_start3A_125 = tpu.memref_squeeze %dma_start3A_124 : memref<1x1x128xi32, #tpu.memory_space<vmem>> -> memref<128xi32, #tpu.memory_space<vmem>>
      %dma_start3A_126 = arith.constant 0 : i32
      %dma_start3A_127 = arith.constant 0 : i32
      %dma_start3A_128 = tpu.memref_slice %arg8[%dma_start3A_126, %dma_start3A_127] : memref<10240x32xf32, #tpu.memory_space<vmem_shared>> -> memref<10240x32xf32, #tpu.memory_space<vmem_shared>>
      tpu.enqueue_indirect_dma source(%dma_start3A_122 : memref<128x32xf32, #tpu.memory_space<vmem>>) target(%dma_start3A_128 : memref<10240x32xf32, #tpu.memory_space<vmem_shared>>) offsets(%dma_start3A_125 : memref<128xi32, #tpu.memory_space<vmem>>) semaphore(%arg11 : memref<!tpu.dma_semaphore, #tpu.memory_space<semaphore_mem>>) {add = true}
      %ge3A = arith.constant 1 : i32
      %ge3A_129 = arith.cmpi sge, %while3A_102, %ge3A : i32
      %convert_element_type3A = arith.extui %ge3A_129 : i1 to i32
      %cond3A = arith.constant 0 : i32
      %cond3A_130 = arith.cmpi ne, %convert_element_type3A, %cond3A : i32
      scf.if %cond3A_130 {
        %add3A_142 = arith.constant 1 : i32
        %add3A_143 = arith.addi %while3A_102, %add3A_142 : i32
        %rem3A_144 = arith.constant 2 : i32
        %rem3A_145 = arith.remsi %add3A_143, %rem3A_144 : i32
        %add3A_146 = arith.constant 2 : i32
        %add3A_147 = arith.addi %while3A_102, %add3A_146 : i32
        %rem3A_148 = arith.constant 3 : i32
        %rem3A_149 = arith.remsi %add3A_147, %rem3A_148 : i32
        %dma_wait3A_150 = arith.constant 1 : i32
        %dma_wait3A_151 = arith.constant 0 : i32
        %dma_wait3A_152 = arith.constant 0 : i32
        %dma_wait3A_153 = tpu.memref_slice %arg7[%rem3A_145, %dma_wait3A_151, %dma_wait3A_152] : memref<2x128x32xf32, #tpu.memory_space<vmem>> -> memref<1x128x32xf32, #tpu.memory_space<vmem>>
        %dma_wait3A_154 = tpu.memref_squeeze %dma_wait3A_153 : memref<1x128x32xf32, #tpu.memory_space<vmem>> -> memref<128x32xf32, #tpu.memory_space<vmem>>
        %dma_wait3A_155 = arith.constant 0 : i32
        %dma_wait3A_156 = tpu.memref_slice %arg6[%rem3A_149, %dma_wait3A_150, %dma_wait3A_155] : memref<3x2x128xi32, #tpu.memory_space<vmem>> -> memref<1x1x128xi32, #tpu.memory_space<vmem>>
        %dma_wait3A_157 = tpu.memref_squeeze %dma_wait3A_156 : memref<1x1x128xi32, #tpu.memory_space<vmem>> -> memref<128xi32, #tpu.memory_space<vmem>>
        %dma_wait3A_158 = arith.constant 0 : i32
        %dma_wait3A_159 = arith.constant 0 : i32
        %dma_wait3A_160 = tpu.memref_slice %arg8[%dma_wait3A_158, %dma_wait3A_159] : memref<10240x32xf32, #tpu.memory_space<vmem_shared>> -> memref<10240x32xf32, #tpu.memory_space<vmem_shared>>
        tpu.wait_indirect_dma semaphore(%arg11 : memref<!tpu.dma_semaphore, #tpu.memory_space<semaphore_mem>>) src(%dma_wait3A_154 : memref<128x32xf32, #tpu.memory_space<vmem>>) dst(%dma_wait3A_160 : memref<10240x32xf32, #tpu.memory_space<vmem_shared>>)
      } else {
      }
      %add3A_131 = arith.constant 2 : i32
      %add3A_132 = arith.addi %while3A_102, %add3A_131 : i32
      %lt3A = arith.cmpi slt, %add3A_132, %select_n3A_10 : i32
      %convert_element_type3A_133 = arith.extui %lt3A : i1 to i32
      %cond3A_134 = arith.constant 0 : i32
      %cond3A_135 = arith.cmpi ne, %convert_element_type3A_133, %cond3A_134 : i32
      scf.if %cond3A_135 {
        %add3A_142 = arith.constant 2 : i32
        %add3A_143 = arith.addi %while3A_102, %add3A_142 : i32
        %rem3A_144 = arith.constant 3 : i32
        %rem3A_145 = arith.remsi %add3A_143, %rem3A_144 : i32
        %add3A_146 = arith.addi %select_n3A, %while3A_102 : i32
        %add3A_147 = arith.constant 2 : i32
        %add3A_148 = arith.addi %add3A_146, %add3A_147 : i32
        %dma_start3A_149 = arith.constant 0 : i32
        %dma_start3A_150 = arith.constant 0 : i32
        %dma_start3A_151 = tpu.memref_slice %arg6[%rem3A_145, %dma_start3A_149, %dma_start3A_150] : memref<3x2x128xi32, #tpu.memory_space<vmem>> -> memref<1x2x128xi32, #tpu.memory_space<vmem>>
        %dma_start3A_152 = tpu.memref_squeeze %dma_start3A_151 : memref<1x2x128xi32, #tpu.memory_space<vmem>> -> memref<2x128xi32, #tpu.memory_space<vmem>>
        %dma_start3A_153 = arith.constant 0 : i32
        %dma_start3A_154 = arith.constant 0 : i32
        %dma_start3A_155 = tpu.memref_slice %arg3[%add3A_148, %dma_start3A_153, %dma_start3A_154] : memref<2528x2x128xi32, #tpu.memory_space<hbm>> -> memref<1x2x128xi32, #tpu.memory_space<hbm>>
        %dma_start3A_156 = tpu.memref_squeeze %dma_start3A_155 : memref<1x2x128xi32, #tpu.memory_space<hbm>> -> memref<2x128xi32, #tpu.memory_space<hbm>>
        %dma_start3A_157 = arith.constant 0 : i32
        %dma_start3A_158 = arith.constant 0 : i32
        %dma_start3A_159 = tpu.memref_slice %arg6[%rem3A_145, %dma_start3A_157, %dma_start3A_158] : memref<3x2x128xi32, #tpu.memory_space<vmem>> -> memref<1x2x128xi32, #tpu.memory_space<vmem>>
        %dma_start3A_160 = tpu.memref_squeeze %dma_start3A_159 : memref<1x2x128xi32, #tpu.memory_space<vmem>> -> memref<2x128xi32, #tpu.memory_space<vmem>>
        %dma_start3A_161 = arith.constant 0 : i32
        %dma_start3A_162 = arith.constant 0 : i32
        %dma_start3A_163 = tpu.memref_slice %arg3[%add3A_148, %dma_start3A_161, %dma_start3A_162] : memref<2528x2x128xi32, #tpu.memory_space<hbm>> -> memref<1x2x128xi32, #tpu.memory_space<hbm>>
        %dma_start3A_164 = tpu.memref_squeeze %dma_start3A_163 : memref<1x2x128xi32, #tpu.memory_space<hbm>> -> memref<2x128xi32, #tpu.memory_space<hbm>>
        tpu.enqueue_dma source(%dma_start3A_164 : memref<2x128xi32, #tpu.memory_space<hbm>>) target(%dma_start3A_160 : memref<2x128xi32, #tpu.memory_space<vmem>>) target_semaphore(%arg9 : memref<!tpu.dma_semaphore, #tpu.memory_space<semaphore_mem>>)
      } else {
      }
      %add3A_136 = arith.constant 1 : i32
      %add3A_137 = arith.addi %while3A_102, %add3A_136 : i32
      %lt3A_138 = arith.cmpi slt, %add3A_137, %select_n3A_10 : i32
      %convert_element_type3A_139 = arith.extui %lt3A_138 : i1 to i32
      %cond3A_140 = arith.constant 0 : i32
      %cond3A_141 = arith.cmpi ne, %convert_element_type3A_139, %cond3A_140 : i32
      scf.if %cond3A_141 {
        %add3A_142 = arith.constant 1 : i32
        %add3A_143 = arith.addi %while3A_102, %add3A_142 : i32
        %rem3A_144 = arith.constant 2 : i32
        %rem3A_145 = arith.remsi %add3A_143, %rem3A_144 : i32
        %add3A_146 = arith.constant 1 : i32
        %add3A_147 = arith.addi %while3A_102, %add3A_146 : i32
        %rem3A_148 = arith.constant 3 : i32
        %rem3A_149 = arith.remsi %add3A_147, %rem3A_148 : i32
        %add3A_150 = arith.addi %select_n3A, %while3A_102 : i32
        %add3A_151 = arith.constant 1 : i32
        %add3A_152 = arith.addi %add3A_150, %add3A_151 : i32
        %dma_wait3A_153 = arith.constant 0 : i32
        %dma_wait3A_154 = arith.constant 0 : i32
        %dma_wait3A_155 = tpu.memref_slice %arg6[%rem3A_149, %dma_wait3A_153, %dma_wait3A_154] : memref<3x2x128xi32, #tpu.memory_space<vmem>> -> memref<1x2x128xi32, #tpu.memory_space<vmem>>
        %dma_wait3A_156 = tpu.memref_squeeze %dma_wait3A_155 : memref<1x2x128xi32, #tpu.memory_space<vmem>> -> memref<2x128xi32, #tpu.memory_space<vmem>>
        %dma_wait3A_157 = arith.constant 0 : i32
        %dma_wait3A_158 = arith.constant 0 : i32
        %dma_wait3A_159 = tpu.memref_slice %arg3[%add3A_152, %dma_wait3A_157, %dma_wait3A_158] : memref<2528x2x128xi32, #tpu.memory_space<hbm>> -> memref<1x2x128xi32, #tpu.memory_space<hbm>>
        %dma_wait3A_160 = tpu.memref_squeeze %dma_wait3A_159 : memref<1x2x128xi32, #tpu.memory_space<hbm>> -> memref<2x128xi32, #tpu.memory_space<hbm>>
        %dma_wait3A_161 = arith.constant 0 : i32
        %dma_wait3A_162 = arith.constant 0 : i32
        %dma_wait3A_163 = tpu.memref_slice %arg6[%rem3A_149, %dma_wait3A_161, %dma_wait3A_162] : memref<3x2x128xi32, #tpu.memory_space<vmem>> -> memref<1x2x128xi32, #tpu.memory_space<vmem>>
        %dma_wait3A_164 = tpu.memref_squeeze %dma_wait3A_163 : memref<1x2x128xi32, #tpu.memory_space<vmem>> -> memref<2x128xi32, #tpu.memory_space<vmem>>
        %dma_wait3A_165 = arith.constant 0 : i32
        %dma_wait3A_166 = arith.constant 0 : i32
        %dma_wait3A_167 = tpu.memref_slice %arg3[%add3A_152, %dma_wait3A_165, %dma_wait3A_166] : memref<2528x2x128xi32, #tpu.memory_space<hbm>> -> memref<1x2x128xi32, #tpu.memory_space<hbm>>
        %dma_wait3A_168 = tpu.memref_squeeze %dma_wait3A_167 : memref<1x2x128xi32, #tpu.memory_space<hbm>> -> memref<2x128xi32, #tpu.memory_space<hbm>>
        tpu.wait_dma2 semaphore(%arg9 : memref<!tpu.dma_semaphore, #tpu.memory_space<semaphore_mem>>) src(%dma_wait3A_168 : memref<2x128xi32, #tpu.memory_space<hbm>>) dst(%dma_wait3A_164 : memref<2x128xi32, #tpu.memory_space<vmem>>)
        %dma_start3A_169 = arith.constant 0 : i32
        %dma_start3A_170 = arith.constant 0 : i32
        %dma_start3A_171 = arith.constant 0 : i32
        %dma_start3A_172 = tpu.memref_slice %arg7[%rem3A_145, %dma_start3A_170, %dma_start3A_171] : memref<2x128x32xf32, #tpu.memory_space<vmem>> -> memref<1x128x32xf32, #tpu.memory_space<vmem>>
        %dma_start3A_173 = tpu.memref_squeeze %dma_start3A_172 : memref<1x128x32xf32, #tpu.memory_space<vmem>> -> memref<128x32xf32, #tpu.memory_space<vmem>>
        %dma_start3A_174 = arith.constant 0 : i32
        %dma_start3A_175 = tpu.memref_slice %arg6[%rem3A_149, %dma_start3A_169, %dma_start3A_174] : memref<3x2x128xi32, #tpu.memory_space<vmem>> -> memref<1x1x128xi32, #tpu.memory_space<vmem>>
        %dma_start3A_176 = tpu.memref_squeeze %dma_start3A_175 : memref<1x1x128xi32, #tpu.memory_space<vmem>> -> memref<128xi32, #tpu.memory_space<vmem>>
        %dma_start3A_177 = arith.constant 0 : i32
        %dma_start3A_178 = arith.constant 0 : i32
        %dma_start3A_179 = tpu.memref_slice %arg2[%dma_start3A_177, %dma_start3A_178] : memref<10240x32xf32, #tpu.memory_space<hbm>> -> memref<10240x32xf32, #tpu.memory_space<hbm>>
        tpu.enqueue_indirect_dma source(%dma_start3A_179 : memref<10240x32xf32, #tpu.memory_space<hbm>>) target(%dma_start3A_173 : memref<128x32xf32, #tpu.memory_space<vmem>>) offsets(%dma_start3A_176 : memref<128xi32, #tpu.memory_space<vmem>>) semaphore(%arg10 : memref<!tpu.dma_semaphore, #tpu.memory_space<semaphore_mem>>)
      } else {
      }
    }
    %while3A_83 = arith.constant 1 : i32
    scf.for %while3A_102 = %while3A_81 to %while3A_77 step %while3A_83  : i32 {
      %rem3A_103 = arith.constant 2 : i32
      %rem3A_104 = arith.remsi %while3A_102, %rem3A_103 : i32
      %rem3A_105 = arith.constant 3 : i32
      %rem3A_106 = arith.remsi %while3A_102, %rem3A_105 : i32
      %dma_wait3A_107 = arith.constant 0 : i32
      %dma_wait3A_108 = arith.constant 0 : i32
      %dma_wait3A_109 = arith.constant 0 : i32
      %dma_wait3A_110 = tpu.memref_slice %arg7[%rem3A_104, %dma_wait3A_108, %dma_wait3A_109] : memref<2x128x32xf32, #tpu.memory_space<vmem>> -> memref<1x128x32xf32, #tpu.memory_space<vmem>>
      %dma_wait3A_111 = tpu.memref_squeeze %dma_wait3A_110 : memref<1x128x32xf32, #tpu.memory_space<vmem>> -> memref<128x32xf32, #tpu.memory_space<vmem>>
      %dma_wait3A_112 = arith.constant 0 : i32
      %dma_wait3A_113 = tpu.memref_slice %arg6[%rem3A_106, %dma_wait3A_107, %dma_wait3A_112] : memref<3x2x128xi32, #tpu.memory_space<vmem>> -> memref<1x1x128xi32, #tpu.memory_space<vmem>>
      %dma_wait3A_114 = tpu.memref_squeeze %dma_wait3A_113 : memref<1x1x128xi32, #tpu.memory_space<vmem>> -> memref<128xi32, #tpu.memory_space<vmem>>
      %dma_wait3A_115 = arith.constant 0 : i32
      %dma_wait3A_116 = arith.constant 0 : i32
      %dma_wait3A_117 = tpu.memref_slice %arg2[%dma_wait3A_115, %dma_wait3A_116] : memref<10240x32xf32, #tpu.memory_space<hbm>> -> memref<10240x32xf32, #tpu.memory_space<hbm>>
      tpu.wait_indirect_dma semaphore(%arg10 : memref<!tpu.dma_semaphore, #tpu.memory_space<semaphore_mem>>) src(%dma_wait3A_117 : memref<10240x32xf32, #tpu.memory_space<hbm>>) dst(%dma_wait3A_111 : memref<128x32xf32, #tpu.memory_space<vmem>>)
      %dma_start3A_118 = arith.constant 1 : i32
      %dma_start3A_119 = arith.constant 0 : i32
      %dma_start3A_120 = arith.constant 0 : i32
      %dma_start3A_121 = tpu.memref_slice %arg7[%rem3A_104, %dma_start3A_119, %dma_start3A_120] : memref<2x128x32xf32, #tpu.memory_space<vmem>> -> memref<1x128x32xf32, #tpu.memory_space<vmem>>
      %dma_start3A_122 = tpu.memref_squeeze %dma_start3A_121 : memref<1x128x32xf32, #tpu.memory_space<vmem>> -> memref<128x32xf32, #tpu.memory_space<vmem>>
      %dma_start3A_123 = arith.constant 0 : i32
      %dma_start3A_124 = tpu.memref_slice %arg6[%rem3A_106, %dma_start3A_118, %dma_start3A_123] : memref<3x2x128xi32, #tpu.memory_space<vmem>> -> memref<1x1x128xi32, #tpu.memory_space<vmem>>
      %dma_start3A_125 = tpu.memref_squeeze %dma_start3A_124 : memref<1x1x128xi32, #tpu.memory_space<vmem>> -> memref<128xi32, #tpu.memory_space<vmem>>
      %dma_start3A_126 = arith.constant 0 : i32
      %dma_start3A_127 = arith.constant 0 : i32
      %dma_start3A_128 = tpu.memref_slice %arg8[%dma_start3A_126, %dma_start3A_127] : memref<10240x32xf32, #tpu.memory_space<vmem_shared>> -> memref<10240x32xf32, #tpu.memory_space<vmem_shared>>
      tpu.enqueue_indirect_dma source(%dma_start3A_122 : memref<128x32xf32, #tpu.memory_space<vmem>>) target(%dma_start3A_128 : memref<10240x32xf32, #tpu.memory_space<vmem_shared>>) offsets(%dma_start3A_125 : memref<128xi32, #tpu.memory_space<vmem>>) semaphore(%arg11 : memref<!tpu.dma_semaphore, #tpu.memory_space<semaphore_mem>>) {add = true}
      %ge3A = arith.constant 1 : i32
      %ge3A_129 = arith.cmpi sge, %while3A_102, %ge3A : i32
      %convert_element_type3A = arith.extui %ge3A_129 : i1 to i32
      %cond3A = arith.constant 0 : i32
      %cond3A_130 = arith.cmpi ne, %convert_element_type3A, %cond3A : i32
      scf.if %cond3A_130 {
        %add3A_142 = arith.constant 1 : i32
        %add3A_143 = arith.addi %while3A_102, %add3A_142 : i32
        %rem3A_144 = arith.constant 2 : i32
        %rem3A_145 = arith.remsi %add3A_143, %rem3A_144 : i32
        %add3A_146 = arith.constant 2 : i32
        %add3A_147 = arith.addi %while3A_102, %add3A_146 : i32
        %rem3A_148 = arith.constant 3 : i32
        %rem3A_149 = arith.remsi %add3A_147, %rem3A_148 : i32
        %dma_wait3A_150 = arith.constant 1 : i32
        %dma_wait3A_151 = arith.constant 0 : i32
        %dma_wait3A_152 = arith.constant 0 : i32
        %dma_wait3A_153 = tpu.memref_slice %arg7[%rem3A_145, %dma_wait3A_151, %dma_wait3A_152] : memref<2x128x32xf32, #tpu.memory_space<vmem>> -> memref<1x128x32xf32, #tpu.memory_space<vmem>>
        %dma_wait3A_154 = tpu.memref_squeeze %dma_wait3A_153 : memref<1x128x32xf32, #tpu.memory_space<vmem>> -> memref<128x32xf32, #tpu.memory_space<vmem>>
        %dma_wait3A_155 = arith.constant 0 : i32
        %dma_wait3A_156 = tpu.memref_slice %arg6[%rem3A_149, %dma_wait3A_150, %dma_wait3A_155] : memref<3x2x128xi32, #tpu.memory_space<vmem>> -> memref<1x1x128xi32, #tpu.memory_space<vmem>>
        %dma_wait3A_157 = tpu.memref_squeeze %dma_wait3A_156 : memref<1x1x128xi32, #tpu.memory_space<vmem>> -> memref<128xi32, #tpu.memory_space<vmem>>
        %dma_wait3A_158 = arith.constant 0 : i32
        %dma_wait3A_159 = arith.constant 0 : i32
        %dma_wait3A_160 = tpu.memref_slice %arg8[%dma_wait3A_158, %dma_wait3A_159] : memref<10240x32xf32, #tpu.memory_space<vmem_shared>> -> memref<10240x32xf32, #tpu.memory_space<vmem_shared>>
        tpu.wait_indirect_dma semaphore(%arg11 : memref<!tpu.dma_semaphore, #tpu.memory_space<semaphore_mem>>) src(%dma_wait3A_154 : memref<128x32xf32, #tpu.memory_space<vmem>>) dst(%dma_wait3A_160 : memref<10240x32xf32, #tpu.memory_space<vmem_shared>>)
      } else {
      }
      %add3A_131 = arith.constant 2 : i32
      %add3A_132 = arith.addi %while3A_102, %add3A_131 : i32
      %lt3A = arith.cmpi slt, %add3A_132, %select_n3A_10 : i32
      %convert_element_type3A_133 = arith.extui %lt3A : i1 to i32
      %cond3A_134 = arith.constant 0 : i32
      %cond3A_135 = arith.cmpi ne, %convert_element_type3A_133, %cond3A_134 : i32
      scf.if %cond3A_135 {
        %add3A_142 = arith.constant 2 : i32
        %add3A_143 = arith.addi %while3A_102, %add3A_142 : i32
        %rem3A_144 = arith.constant 3 : i32
        %rem3A_145 = arith.remsi %add3A_143, %rem3A_144 : i32
        %add3A_146 = arith.addi %select_n3A, %while3A_102 : i32
        %add3A_147 = arith.constant 2 : i32
        %add3A_148 = arith.addi %add3A_146, %add3A_147 : i32
        %dma_start3A_149 = arith.constant 0 : i32
        %dma_start3A_150 = arith.constant 0 : i32
        %dma_start3A_151 = tpu.memref_slice %arg6[%rem3A_145, %dma_start3A_149, %dma_start3A_150] : memref<3x2x128xi32, #tpu.memory_space<vmem>> -> memref<1x2x128xi32, #tpu.memory_space<vmem>>
        %dma_start3A_152 = tpu.memref_squeeze %dma_start3A_151 : memref<1x2x128xi32, #tpu.memory_space<vmem>> -> memref<2x128xi32, #tpu.memory_space<vmem>>
        %dma_start3A_153 = arith.constant 0 : i32
        %dma_start3A_154 = arith.constant 0 : i32
        %dma_start3A_155 = tpu.memref_slice %arg3[%add3A_148, %dma_start3A_153, %dma_start3A_154] : memref<2528x2x128xi32, #tpu.memory_space<hbm>> -> memref<1x2x128xi32, #tpu.memory_space<hbm>>
        %dma_start3A_156 = tpu.memref_squeeze %dma_start3A_155 : memref<1x2x128xi32, #tpu.memory_space<hbm>> -> memref<2x128xi32, #tpu.memory_space<hbm>>
        %dma_start3A_157 = arith.constant 0 : i32
        %dma_start3A_158 = arith.constant 0 : i32
        %dma_start3A_159 = tpu.memref_slice %arg6[%rem3A_145, %dma_start3A_157, %dma_start3A_158] : memref<3x2x128xi32, #tpu.memory_space<vmem>> -> memref<1x2x128xi32, #tpu.memory_space<vmem>>
        %dma_start3A_160 = tpu.memref_squeeze %dma_start3A_159 : memref<1x2x128xi32, #tpu.memory_space<vmem>> -> memref<2x128xi32, #tpu.memory_space<vmem>>
        %dma_start3A_161 = arith.constant 0 : i32
        %dma_start3A_162 = arith.constant 0 : i32
        %dma_start3A_163 = tpu.memref_slice %arg3[%add3A_148, %dma_start3A_161, %dma_start3A_162] : memref<2528x2x128xi32, #tpu.memory_space<hbm>> -> memref<1x2x128xi32, #tpu.memory_space<hbm>>
        %dma_start3A_164 = tpu.memref_squeeze %dma_start3A_163 : memref<1x2x128xi32, #tpu.memory_space<hbm>> -> memref<2x128xi32, #tpu.memory_space<hbm>>
        tpu.enqueue_dma source(%dma_start3A_164 : memref<2x128xi32, #tpu.memory_space<hbm>>) target(%dma_start3A_160 : memref<2x128xi32, #tpu.memory_space<vmem>>) target_semaphore(%arg9 : memref<!tpu.dma_semaphore, #tpu.memory_space<semaphore_mem>>)
      } else {
      }
      %add3A_136 = arith.constant 1 : i32
      %add3A_137 = arith.addi %while3A_102, %add3A_136 : i32
      %lt3A_138 = arith.cmpi slt, %add3A_137, %select_n3A_10 : i32
      %convert_element_type3A_139 = arith.extui %lt3A_138 : i1 to i32
      %cond3A_140 = arith.constant 0 : i32
      %cond3A_141 = arith.cmpi ne, %convert_element_type3A_139, %cond3A_140 : i32
      scf.if %cond3A_141 {
        %add3A_142 = arith.constant 1 : i32
        %add3A_143 = arith.addi %while3A_102, %add3A_142 : i32
        %rem3A_144 = arith.constant 2 : i32
        %rem3A_145 = arith.remsi %add3A_143, %rem3A_144 : i32
        %add3A_146 = arith.constant 1 : i32
        %add3A_147 = arith.addi %while3A_102, %add3A_146 : i32
        %rem3A_148 = arith.constant 3 : i32
        %rem3A_149 = arith.remsi %add3A_147, %rem3A_148 : i32
        %add3A_150 = arith.addi %select_n3A, %while3A_102 : i32
        %add3A_151 = arith.constant 1 : i32
        %add3A_152 = arith.addi %add3A_150, %add3A_151 : i32
        %dma_wait3A_153 = arith.constant 0 : i32
        %dma_wait3A_154 = arith.constant 0 : i32
        %dma_wait3A_155 = tpu.memref_slice %arg6[%rem3A_149, %dma_wait3A_153, %dma_wait3A_154] : memref<3x2x128xi32, #tpu.memory_space<vmem>> -> memref<1x2x128xi32, #tpu.memory_space<vmem>>
        %dma_wait3A_156 = tpu.memref_squeeze %dma_wait3A_155 : memref<1x2x128xi32, #tpu.memory_space<vmem>> -> memref<2x128xi32, #tpu.memory_space<vmem>>
        %dma_wait3A_157 = arith.constant 0 : i32
        %dma_wait3A_158 = arith.constant 0 : i32
        %dma_wait3A_159 = tpu.memref_slice %arg3[%add3A_152, %dma_wait3A_157, %dma_wait3A_158] : memref<2528x2x128xi32, #tpu.memory_space<hbm>> -> memref<1x2x128xi32, #tpu.memory_space<hbm>>
        %dma_wait3A_160 = tpu.memref_squeeze %dma_wait3A_159 : memref<1x2x128xi32, #tpu.memory_space<hbm>> -> memref<2x128xi32, #tpu.memory_space<hbm>>
        %dma_wait3A_161 = arith.constant 0 : i32
        %dma_wait3A_162 = arith.constant 0 : i32
        %dma_wait3A_163 = tpu.memref_slice %arg6[%rem3A_149, %dma_wait3A_161, %dma_wait3A_162] : memref<3x2x128xi32, #tpu.memory_space<vmem>> -> memref<1x2x128xi32, #tpu.memory_space<vmem>>
        %dma_wait3A_164 = tpu.memref_squeeze %dma_wait3A_163 : memref<1x2x128xi32, #tpu.memory_space<vmem>> -> memref<2x128xi32, #tpu.memory_space<vmem>>
        %dma_wait3A_165 = arith.constant 0 : i32
        %dma_wait3A_166 = arith.constant 0 : i32
        %dma_wait3A_167 = tpu.memref_slice %arg3[%add3A_152, %dma_wait3A_165, %dma_wait3A_166] : memref<2528x2x128xi32, #tpu.memory_space<hbm>> -> memref<1x2x128xi32, #tpu.memory_space<hbm>>
        %dma_wait3A_168 = tpu.memref_squeeze %dma_wait3A_167 : memref<1x2x128xi32, #tpu.memory_space<hbm>> -> memref<2x128xi32, #tpu.memory_space<hbm>>
        tpu.wait_dma2 semaphore(%arg9 : memref<!tpu.dma_semaphore, #tpu.memory_space<semaphore_mem>>) src(%dma_wait3A_168 : memref<2x128xi32, #tpu.memory_space<hbm>>) dst(%dma_wait3A_164 : memref<2x128xi32, #tpu.memory_space<vmem>>)
        %dma_start3A_169 = arith.constant 0 : i32
        %dma_start3A_170 = arith.constant 0 : i32
        %dma_start3A_171 = arith.constant 0 : i32
        %dma_start3A_172 = tpu.memref_slice %arg7[%rem3A_145, %dma_start3A_170, %dma_start3A_171] : memref<2x128x32xf32, #tpu.memory_space<vmem>> -> memref<1x128x32xf32, #tpu.memory_space<vmem>>
        %dma_start3A_173 = tpu.memref_squeeze %dma_start3A_172 : memref<1x128x32xf32, #tpu.memory_space<vmem>> -> memref<128x32xf32, #tpu.memory_space<vmem>>
        %dma_start3A_174 = arith.constant 0 : i32
        %dma_start3A_175 = tpu.memref_slice %arg6[%rem3A_149, %dma_start3A_169, %dma_start3A_174] : memref<3x2x128xi32, #tpu.memory_space<vmem>> -> memref<1x1x128xi32, #tpu.memory_space<vmem>>
        %dma_start3A_176 = tpu.memref_squeeze %dma_start3A_175 : memref<1x1x128xi32, #tpu.memory_space<vmem>> -> memref<128xi32, #tpu.memory_space<vmem>>
        %dma_start3A_177 = arith.constant 0 : i32
        %dma_start3A_178 = arith.constant 0 : i32
        %dma_start3A_179 = tpu.memref_slice %arg2[%dma_start3A_177, %dma_start3A_178] : memref<10240x32xf32, #tpu.memory_space<hbm>> -> memref<10240x32xf32, #tpu.memory_space<hbm>>
        tpu.enqueue_indirect_dma source(%dma_start3A_179 : memref<10240x32xf32, #tpu.memory_space<hbm>>) target(%dma_start3A_173 : memref<128x32xf32, #tpu.memory_space<vmem>>) offsets(%dma_start3A_176 : memref<128xi32, #tpu.memory_space<vmem>>) semaphore(%arg10 : memref<!tpu.dma_semaphore, #tpu.memory_space<semaphore_mem>>)
      } else {
      }
    }
    %sub3A = arith.constant 1 : i32
    %sub3A_84 = arith.subi %select_n3A_10, %sub3A : i32
    %rem3A = arith.constant 2 : i32
    %rem3A_85 = arith.remsi %sub3A_84, %rem3A : i32
    %sub3A_86 = arith.constant 1 : i32
    %sub3A_87 = arith.subi %select_n3A_10, %sub3A_86 : i32
    %rem3A_88 = arith.constant 3 : i32
    %rem3A_89 = arith.remsi %sub3A_87, %rem3A_88 : i32
    %dma_wait3A_90 = arith.constant 1 : i32
    %dma_wait3A_91 = arith.constant 0 : i32
    %dma_wait3A_92 = arith.constant 0 : i32
    %dma_wait3A_93 = tpu.memref_slice %arg7[%rem3A_85, %dma_wait3A_91, %dma_wait3A_92] : memref<2x128x32xf32, #tpu.memory_space<vmem>> -> memref<1x128x32xf32, #tpu.memory_space<vmem>>
    %dma_wait3A_94 = tpu.memref_squeeze %dma_wait3A_93 : memref<1x128x32xf32, #tpu.memory_space<vmem>> -> memref<128x32xf32, #tpu.memory_space<vmem>>
    %dma_wait3A_95 = arith.constant 0 : i32
    %dma_wait3A_96 = tpu.memref_slice %arg6[%rem3A_89, %dma_wait3A_90, %dma_wait3A_95] : memref<3x2x128xi32, #tpu.memory_space<vmem>> -> memref<1x1x128xi32, #tpu.memory_space<vmem>>
    %dma_wait3A_97 = tpu.memref_squeeze %dma_wait3A_96 : memref<1x1x128xi32, #tpu.memory_space<vmem>> -> memref<128xi32, #tpu.memory_space<vmem>>
    %dma_wait3A_98 = arith.constant 0 : i32
    %dma_wait3A_99 = arith.constant 0 : i32
    %dma_wait3A_100 = tpu.memref_slice %arg8[%dma_wait3A_98, %dma_wait3A_99] : memref<10240x32xf32, #tpu.memory_space<vmem_shared>> -> memref<10240x32xf32, #tpu.memory_space<vmem_shared>>
    tpu.wait_indirect_dma semaphore(%arg11 : memref<!tpu.dma_semaphore, #tpu.memory_space<semaphore_mem>>) src(%dma_wait3A_94 : memref<128x32xf32, #tpu.memory_space<vmem>>) dst(%dma_wait3A_100 : memref<10240x32xf32, #tpu.memory_space<vmem_shared>>)
    %barrier3A_101 = arith.constant 0 : index
    tpu.barrier barrier_id(%barrier3A_101)
    "tpu.region"() ({
      %run_scoped3A = tpu.sem_alloc : memref<!tpu.dma_semaphore, #tpu.memory_space<semaphore_mem>>
      %dma_start3A_102 = arith.constant 0 : i32
      %dma_start3A_103 = tpu.memref_slice %arg5[%arg0, %mul3A_0, %dma_start3A_102] : memref<2x10240x32xf32, #tpu.memory_space<hbm>> -> memref<1x640x32xf32, #tpu.memory_space<hbm>>
      %dma_start3A_104 = tpu.memref_squeeze %dma_start3A_103 : memref<1x640x32xf32, #tpu.memory_space<hbm>> -> memref<640x32xf32, #tpu.memory_space<hbm>>
      %dma_start3A_105 = arith.constant 0 : i32
      %dma_start3A_106 = tpu.memref_slice %arg8[%mul3A_0, %dma_start3A_105] : memref<10240x32xf32, #tpu.memory_space<vmem_shared>> -> memref<640x32xf32, #tpu.memory_space<vmem_shared>>
      tpu.enqueue_dma source(%dma_start3A_106 : memref<640x32xf32, #tpu.memory_space<vmem_shared>>) target(%dma_start3A_104 : memref<640x32xf32, #tpu.memory_space<hbm>>) target_semaphore(%run_scoped3A : memref<!tpu.dma_semaphore, #tpu.memory_space<semaphore_mem>>)
      %dma_wait3A_107 = arith.constant 0 : i32
      %dma_wait3A_108 = tpu.memref_slice %arg5[%arg0, %mul3A_0, %dma_wait3A_107] : memref<2x10240x32xf32, #tpu.memory_space<hbm>> -> memref<1x640x32xf32, #tpu.memory_space<hbm>>
      %dma_wait3A_109 = tpu.memref_squeeze %dma_wait3A_108 : memref<1x640x32xf32, #tpu.memory_space<hbm>> -> memref<640x32xf32, #tpu.memory_space<hbm>>
      %dma_wait3A_110 = arith.constant 0 : i32
      %dma_wait3A_111 = tpu.memref_slice %arg8[%mul3A_0, %dma_wait3A_110] : memref<10240x32xf32, #tpu.memory_space<vmem_shared>> -> memref<640x32xf32, #tpu.memory_space<vmem_shared>>
      tpu.wait_dma2 semaphore(%run_scoped3A : memref<!tpu.dma_semaphore, #tpu.memory_space<semaphore_mem>>) src(%dma_wait3A_111 : memref<640x32xf32, #tpu.memory_space<vmem_shared>>) dst(%dma_wait3A_109 : memref<640x32xf32, #tpu.memory_space<hbm>>)
      tpu.yield
    }) : () -> ()
    return
  }
}

#map = affine_map<(d0, d1) -> (0, 0)>
#map1 = affine_map<(d0, d1) -> (0, 0, 0)>
module attributes {stable_mosaic.version = 14 : i64} {
  func.func @k(%arg0: i32, %arg1: i32, %arg2: memref<10240x128xf32, #tpu.memory_space<hbm>>, %arg3: memref<2528x2x128xi32, #tpu.memory_space<hbm>>, %arg4: memref<10240x128xf32, #tpu.memory_space<hbm>>, %arg5: memref<2x10240x128xf32, #tpu.memory_space<hbm>>, %arg6: memref<3x2x128xi32, #tpu.memory_space<vmem>>, %arg7: memref<2x128x128xf32, #tpu.memory_space<vmem>>, %arg8: memref<10240x128xf32, #tpu.memory_space<vmem_shared>>, %arg9: memref<!tpu.dma_semaphore, #tpu.memory_space<semaphore_mem>>, %arg10: memref<!tpu.dma_semaphore, #tpu.memory_space<semaphore_mem>>, %arg11: memref<!tpu.dma_semaphore, #tpu.memory_space<semaphore_mem>>) attributes {dimension_semantics = [#tpu.dimension_semantics<core_parallel>, #tpu.dimension_semantics<subcore_parallel>], iteration_bounds = array<i64: 2, 16>, scalar_prefetch = 0 : i64, scratch_operands = 6 : i64, tpu.core_type = #tpu.core_type<sc_vector_subcore>, window_params = [{transform_indices = #map}, {transform_indices = #map1}, {transform_indices = #map}, {transform_indices = #map1}]} {
    %mul3A = arith.constant 640 : i32
    %mul3A_0 = arith.muli %arg1, %mul3A : i32
    "tpu.region"() ({
      %run_scoped3A = tpu.sem_alloc : memref<!tpu.dma_semaphore, #tpu.memory_space<semaphore_mem>>
      %dma_start3A_102 = arith.constant 0 : i32
      %dma_start3A_103 = tpu.memref_slice %arg8[%mul3A_0, %dma_start3A_102] : memref<10240x128xf32, #tpu.memory_space<vmem_shared>> -> memref<640x128xf32, #tpu.memory_space<vmem_shared>>
      %dma_start3A_104 = arith.constant 0 : i32
      %dma_start3A_105 = tpu.memref_slice %arg4[%mul3A_0, %dma_start3A_104] : memref<10240x128xf32, #tpu.memory_space<hbm>> -> memref<640x128xf32, #tpu.memory_space<hbm>>
      tpu.enqueue_dma source(%dma_start3A_105 : memref<640x128xf32, #tpu.memory_space<hbm>>) target(%dma_start3A_103 : memref<640x128xf32, #tpu.memory_space<vmem_shared>>) target_semaphore(%run_scoped3A : memref<!tpu.dma_semaphore, #tpu.memory_space<semaphore_mem>>)
      %dma_wait3A_106 = arith.constant 0 : i32
      %dma_wait3A_107 = tpu.memref_slice %arg8[%mul3A_0, %dma_wait3A_106] : memref<10240x128xf32, #tpu.memory_space<vmem_shared>> -> memref<640x128xf32, #tpu.memory_space<vmem_shared>>
      %dma_wait3A_108 = arith.constant 0 : i32
      %dma_wait3A_109 = tpu.memref_slice %arg4[%mul3A_0, %dma_wait3A_108] : memref<10240x128xf32, #tpu.memory_space<hbm>> -> memref<640x128xf32, #tpu.memory_space<hbm>>
      tpu.wait_dma2 semaphore(%run_scoped3A : memref<!tpu.dma_semaphore, #tpu.memory_space<semaphore_mem>>) src(%dma_wait3A_109 : memref<640x128xf32, #tpu.memory_space<hbm>>) dst(%dma_wait3A_107 : memref<640x128xf32, #tpu.memory_space<vmem_shared>>)
      tpu.yield
    }) : () -> ()
    %barrier3A = arith.constant 0 : index
    tpu.barrier barrier_id(%barrier3A)
    %eq3A = arith.constant 0 : i32
    %eq3A_1 = arith.cmpi eq, %arg0, %eq3A : i32
    %mul3A_2 = arith.constant 127 : i32
    %mul3A_3 = arith.muli %arg1, %mul3A_2 : i32
    %mul3A_4 = arith.constant 31 : i32
    %mul3A_5 = arith.muli %arg1, %mul3A_4 : i32
    %add3A = arith.constant 2032 : i32
    %add3A_6 = arith.addi %add3A, %mul3A_5 : i32
    %select_n3A = arith.select %eq3A_1, %mul3A_3, %add3A_6 : i32
    %eq3A_7 = arith.constant 0 : i32
    %eq3A_8 = arith.cmpi eq, %arg0, %eq3A_7 : i32
    %jit3A = arith.constant 127 : i32
    %jit3A_9 = arith.constant 31 : i32
    %select_n3A_10 = arith.select %eq3A_8, %jit3A, %jit3A_9 : i32
    %dma_start3A = arith.constant 0 : i32
    %dma_start3A_11 = arith.constant 0 : i32
    %dma_start3A_12 = arith.constant 0 : i32
    %dma_start3A_13 = tpu.memref_slice %arg6[%dma_start3A, %dma_start3A_11, %dma_start3A_12] : memref<3x2x128xi32, #tpu.memory_space<vmem>> -> memref<1x2x128xi32, #tpu.memory_space<vmem>>
    %dma_start3A_14 = tpu.memref_squeeze %dma_start3A_13 : memref<1x2x128xi32, #tpu.memory_space<vmem>> -> memref<2x128xi32, #tpu.memory_space<vmem>>
    %dma_start3A_15 = arith.constant 0 : i32
    %dma_start3A_16 = arith.constant 0 : i32
    %dma_start3A_17 = tpu.memref_slice %arg3[%select_n3A, %dma_start3A_15, %dma_start3A_16] : memref<2528x2x128xi32, #tpu.memory_space<hbm>> -> memref<1x2x128xi32, #tpu.memory_space<hbm>>
    %dma_start3A_18 = tpu.memref_squeeze %dma_start3A_17 : memref<1x2x128xi32, #tpu.memory_space<hbm>> -> memref<2x128xi32, #tpu.memory_space<hbm>>
    %dma_start3A_19 = arith.constant 0 : i32
    %dma_start3A_20 = arith.constant 0 : i32
    %dma_start3A_21 = tpu.memref_slice %arg6[%dma_start3A, %dma_start3A_19, %dma_start3A_20] : memref<3x2x128xi32, #tpu.memory_space<vmem>> -> memref<1x2x128xi32, #tpu.memory_space<vmem>>
    %dma_start3A_22 = tpu.memref_squeeze %dma_start3A_21 : memref<1x2x128xi32, #tpu.memory_space<vmem>> -> memref<2x128xi32, #tpu.memory_space<vmem>>
    %dma_start3A_23 = arith.constant 0 : i32
    %dma_start3A_24 = arith.constant 0 : i32
    %dma_start3A_25 = tpu.memref_slice %arg3[%select_n3A, %dma_start3A_23, %dma_start3A_24] : memref<2528x2x128xi32, #tpu.memory_space<hbm>> -> memref<1x2x128xi32, #tpu.memory_space<hbm>>
    %dma_start3A_26 = tpu.memref_squeeze %dma_start3A_25 : memref<1x2x128xi32, #tpu.memory_space<hbm>> -> memref<2x128xi32, #tpu.memory_space<hbm>>
    tpu.enqueue_dma source(%dma_start3A_26 : memref<2x128xi32, #tpu.memory_space<hbm>>) target(%dma_start3A_22 : memref<2x128xi32, #tpu.memory_space<vmem>>) target_semaphore(%arg9 : memref<!tpu.dma_semaphore, #tpu.memory_space<semaphore_mem>>)
    %dma_wait3A = arith.constant 0 : i32
    %dma_wait3A_27 = arith.constant 0 : i32
    %dma_wait3A_28 = arith.constant 0 : i32
    %dma_wait3A_29 = tpu.memref_slice %arg6[%dma_wait3A, %dma_wait3A_27, %dma_wait3A_28] : memref<3x2x128xi32, #tpu.memory_space<vmem>> -> memref<1x2x128xi32, #tpu.memory_space<vmem>>
    %dma_wait3A_30 = tpu.memref_squeeze %dma_wait3A_29 : memref<1x2x128xi32, #tpu.memory_space<vmem>> -> memref<2x128xi32, #tpu.memory_space<vmem>>
    %dma_wait3A_31 = arith.constant 0 : i32
    %dma_wait3A_32 = arith.constant 0 : i32
    %dma_wait3A_33 = tpu.memref_slice %arg3[%select_n3A, %dma_wait3A_31, %dma_wait3A_32] : memref<2528x2x128xi32, #tpu.memory_space<hbm>> -> memref<1x2x128xi32, #tpu.memory_space<hbm>>
    %dma_wait3A_34 = tpu.memref_squeeze %dma_wait3A_33 : memref<1x2x128xi32, #tpu.memory_space<hbm>> -> memref<2x128xi32, #tpu.memory_space<hbm>>
    %dma_wait3A_35 = arith.constant 0 : i32
    %dma_wait3A_36 = arith.constant 0 : i32
    %dma_wait3A_37 = tpu.memref_slice %arg6[%dma_wait3A, %dma_wait3A_35, %dma_wait3A_36] : memref<3x2x128xi32, #tpu.memory_space<vmem>> -> memref<1x2x128xi32, #tpu.memory_space<vmem>>
    %dma_wait3A_38 = tpu.memref_squeeze %dma_wait3A_37 : memref<1x2x128xi32, #tpu.memory_space<vmem>> -> memref<2x128xi32, #tpu.memory_space<vmem>>
    %dma_wait3A_39 = arith.constant 0 : i32
    %dma_wait3A_40 = arith.constant 0 : i32
    %dma_wait3A_41 = tpu.memref_slice %arg3[%select_n3A, %dma_wait3A_39, %dma_wait3A_40] : memref<2528x2x128xi32, #tpu.memory_space<hbm>> -> memref<1x2x128xi32, #tpu.memory_space<hbm>>
    %dma_wait3A_42 = tpu.memref_squeeze %dma_wait3A_41 : memref<1x2x128xi32, #tpu.memory_space<hbm>> -> memref<2x128xi32, #tpu.memory_space<hbm>>
    tpu.wait_dma2 semaphore(%arg9 : memref<!tpu.dma_semaphore, #tpu.memory_space<semaphore_mem>>) src(%dma_wait3A_42 : memref<2x128xi32, #tpu.memory_space<hbm>>) dst(%dma_wait3A_38 : memref<2x128xi32, #tpu.memory_space<vmem>>)
    %dma_start3A_43 = arith.constant 0 : i32
    %dma_start3A_44 = arith.constant 0 : i32
    %dma_start3A_45 = arith.constant 0 : i32
    %dma_start3A_46 = arith.constant 0 : i32
    %dma_start3A_47 = arith.constant 0 : i32
    %dma_start3A_48 = tpu.memref_slice %arg7[%dma_start3A_45, %dma_start3A_46, %dma_start3A_47] : memref<2x128x128xf32, #tpu.memory_space<vmem>> -> memref<1x128x128xf32, #tpu.memory_space<vmem>>
    %dma_start3A_49 = tpu.memref_squeeze %dma_start3A_48 : memref<1x128x128xf32, #tpu.memory_space<vmem>> -> memref<128x128xf32, #tpu.memory_space<vmem>>
    %dma_start3A_50 = arith.constant 0 : i32
    %dma_start3A_51 = tpu.memref_slice %arg6[%dma_start3A_43, %dma_start3A_44, %dma_start3A_50] : memref<3x2x128xi32, #tpu.memory_space<vmem>> -> memref<1x1x128xi32, #tpu.memory_space<vmem>>
    %dma_start3A_52 = tpu.memref_squeeze %dma_start3A_51 : memref<1x1x128xi32, #tpu.memory_space<vmem>> -> memref<128xi32, #tpu.memory_space<vmem>>
    %dma_start3A_53 = arith.constant 0 : i32
    %dma_start3A_54 = arith.constant 0 : i32
    %dma_start3A_55 = tpu.memref_slice %arg2[%dma_start3A_53, %dma_start3A_54] : memref<10240x128xf32, #tpu.memory_space<hbm>> -> memref<10240x128xf32, #tpu.memory_space<hbm>>
    tpu.enqueue_indirect_dma source(%dma_start3A_55 : memref<10240x128xf32, #tpu.memory_space<hbm>>) target(%dma_start3A_49 : memref<128x128xf32, #tpu.memory_space<vmem>>) offsets(%dma_start3A_52 : memref<128xi32, #tpu.memory_space<vmem>>) semaphore(%arg10 : memref<!tpu.dma_semaphore, #tpu.memory_space<semaphore_mem>>)
    %add3A_56 = arith.constant 1 : i32
    %add3A_57 = arith.addi %select_n3A, %add3A_56 : i32
    %dma_start3A_58 = arith.constant 1 : i32
    %dma_start3A_59 = arith.constant 0 : i32
    %dma_start3A_60 = arith.constant 0 : i32
    %dma_start3A_61 = tpu.memref_slice %arg6[%dma_start3A_58, %dma_start3A_59, %dma_start3A_60] : memref<3x2x128xi32, #tpu.memory_space<vmem>> -> memref<1x2x128xi32, #tpu.memory_space<vmem>>
    %dma_start3A_62 = tpu.memref_squeeze %dma_start3A_61 : memref<1x2x128xi32, #tpu.memory_space<vmem>> -> memref<2x128xi32, #tpu.memory_space<vmem>>
    %dma_start3A_63 = arith.constant 0 : i32
    %dma_start3A_64 = arith.constant 0 : i32
    %dma_start3A_65 = tpu.memref_slice %arg3[%add3A_57, %dma_start3A_63, %dma_start3A_64] : memref<2528x2x128xi32, #tpu.memory_space<hbm>> -> memref<1x2x128xi32, #tpu.memory_space<hbm>>
    %dma_start3A_66 = tpu.memref_squeeze %dma_start3A_65 : memref<1x2x128xi32, #tpu.memory_space<hbm>> -> memref<2x128xi32, #tpu.memory_space<hbm>>
    %dma_start3A_67 = arith.constant 0 : i32
    %dma_start3A_68 = arith.constant 0 : i32
    %dma_start3A_69 = tpu.memref_slice %arg6[%dma_start3A_58, %dma_start3A_67, %dma_start3A_68] : memref<3x2x128xi32, #tpu.memory_space<vmem>> -> memref<1x2x128xi32, #tpu.memory_space<vmem>>
    %dma_start3A_70 = tpu.memref_squeeze %dma_start3A_69 : memref<1x2x128xi32, #tpu.memory_space<vmem>> -> memref<2x128xi32, #tpu.memory_space<vmem>>
    %dma_start3A_71 = arith.constant 0 : i32
    %dma_start3A_72 = arith.constant 0 : i32
    %dma_start3A_73 = tpu.memref_slice %arg3[%add3A_57, %dma_start3A_71, %dma_start3A_72] : memref<2528x2x128xi32, #tpu.memory_space<hbm>> -> memref<1x2x128xi32, #tpu.memory_space<hbm>>
    %dma_start3A_74 = tpu.memref_squeeze %dma_start3A_73 : memref<1x2x128xi32, #tpu.memory_space<hbm>> -> memref<2x128xi32, #tpu.memory_space<hbm>>
    tpu.enqueue_dma source(%dma_start3A_74 : memref<2x128xi32, #tpu.memory_space<hbm>>) target(%dma_start3A_70 : memref<2x128xi32, #tpu.memory_space<vmem>>) target_semaphore(%arg9 : memref<!tpu.dma_semaphore, #tpu.memory_space<semaphore_mem>>)
    %while3A = arith.constant 0 : i32
    %while3A_75 = arith.constant 0 : i32
    %while3A_76 = arith.subi %select_n3A_10, %while3A_75 : i32
    %while3A_77 = arith.addi %while3A_75, %while3A_76 : i32
    %while3A_78 = arith.constant 1 : i32
    %while3A_79 = arith.divsi %while3A_76, %while3A_78 : i32
    %while3A_80 = arith.muli %while3A_79, %while3A_78 : i32
    %while3A_81 = arith.addi %while3A_75, %while3A_80 : i32
    %while3A_82 = arith.constant 1 : i32
    scf.for %while3A_102 = %while3A_75 to %while3A_81 step %while3A_82  : i32 {
      %rem3A_103 = arith.constant 2 : i32
      %rem3A_104 = arith.remsi %while3A_102, %rem3A_103 : i32
      %rem3A_105 = arith.constant 3 : i32
      %rem3A_106 = arith.remsi %while3A_102, %rem3A_105 : i32
      %dma_wait3A_107 = arith.constant 0 : i32
      %dma_wait3A_108 = arith.constant 0 : i32
      %dma_wait3A_109 = arith.constant 0 : i32
      %dma_wait3A_110 = tpu.memref_slice %arg7[%rem3A_104, %dma_wait3A_108, %dma_wait3A_109] : memref<2x128x128xf32, #tpu.memory_space<vmem>> -> memref<1x128x128xf32, #tpu.memory_space<vmem>>
      %dma_wait3A_111 = tpu.memref_squeeze %dma_wait3A_110 : memref<1x128x128xf32, #tpu.memory_space<vmem>> -> memref<128x128xf32, #tpu.memory_space<vmem>>
      %dma_wait3A_112 = arith.constant 0 : i32
      %dma_wait3A_113 = tpu.memref_slice %arg6[%rem3A_106, %dma_wait3A_107, %dma_wait3A_112] : memref<3x2x128xi32, #tpu.memory_space<vmem>> -> memref<1x1x128xi32, #tpu.memory_space<vmem>>
      %dma_wait3A_114 = tpu.memref_squeeze %dma_wait3A_113 : memref<1x1x128xi32, #tpu.memory_space<vmem>> -> memref<128xi32, #tpu.memory_space<vmem>>
      %dma_wait3A_115 = arith.constant 0 : i32
      %dma_wait3A_116 = arith.constant 0 : i32
      %dma_wait3A_117 = tpu.memref_slice %arg2[%dma_wait3A_115, %dma_wait3A_116] : memref<10240x128xf32, #tpu.memory_space<hbm>> -> memref<10240x128xf32, #tpu.memory_space<hbm>>
      tpu.wait_indirect_dma semaphore(%arg10 : memref<!tpu.dma_semaphore, #tpu.memory_space<semaphore_mem>>) src(%dma_wait3A_117 : memref<10240x128xf32, #tpu.memory_space<hbm>>) dst(%dma_wait3A_111 : memref<128x128xf32, #tpu.memory_space<vmem>>)
      %dma_start3A_118 = arith.constant 1 : i32
      %dma_start3A_119 = arith.constant 0 : i32
      %dma_start3A_120 = arith.constant 0 : i32
      %dma_start3A_121 = tpu.memref_slice %arg7[%rem3A_104, %dma_start3A_119, %dma_start3A_120] : memref<2x128x128xf32, #tpu.memory_space<vmem>> -> memref<1x128x128xf32, #tpu.memory_space<vmem>>
      %dma_start3A_122 = tpu.memref_squeeze %dma_start3A_121 : memref<1x128x128xf32, #tpu.memory_space<vmem>> -> memref<128x128xf32, #tpu.memory_space<vmem>>
      %dma_start3A_123 = arith.constant 0 : i32
      %dma_start3A_124 = tpu.memref_slice %arg6[%rem3A_106, %dma_start3A_118, %dma_start3A_123] : memref<3x2x128xi32, #tpu.memory_space<vmem>> -> memref<1x1x128xi32, #tpu.memory_space<vmem>>
      %dma_start3A_125 = tpu.memref_squeeze %dma_start3A_124 : memref<1x1x128xi32, #tpu.memory_space<vmem>> -> memref<128xi32, #tpu.memory_space<vmem>>
      %dma_start3A_126 = arith.constant 0 : i32
      %dma_start3A_127 = arith.constant 0 : i32
      %dma_start3A_128 = tpu.memref_slice %arg8[%dma_start3A_126, %dma_start3A_127] : memref<10240x128xf32, #tpu.memory_space<vmem_shared>> -> memref<10240x128xf32, #tpu.memory_space<vmem_shared>>
      tpu.enqueue_indirect_dma source(%dma_start3A_122 : memref<128x128xf32, #tpu.memory_space<vmem>>) target(%dma_start3A_128 : memref<10240x128xf32, #tpu.memory_space<vmem_shared>>) offsets(%dma_start3A_125 : memref<128xi32, #tpu.memory_space<vmem>>) semaphore(%arg11 : memref<!tpu.dma_semaphore, #tpu.memory_space<semaphore_mem>>) {add = true}
      %ge3A = arith.constant 1 : i32
      %ge3A_129 = arith.cmpi sge, %while3A_102, %ge3A : i32
      %convert_element_type3A = arith.extui %ge3A_129 : i1 to i32
      %cond3A = arith.constant 0 : i32
      %cond3A_130 = arith.cmpi ne, %convert_element_type3A, %cond3A : i32
      scf.if %cond3A_130 {
        %add3A_142 = arith.constant 1 : i32
        %add3A_143 = arith.addi %while3A_102, %add3A_142 : i32
        %rem3A_144 = arith.constant 2 : i32
        %rem3A_145 = arith.remsi %add3A_143, %rem3A_144 : i32
        %add3A_146 = arith.constant 2 : i32
        %add3A_147 = arith.addi %while3A_102, %add3A_146 : i32
        %rem3A_148 = arith.constant 3 : i32
        %rem3A_149 = arith.remsi %add3A_147, %rem3A_148 : i32
        %dma_wait3A_150 = arith.constant 1 : i32
        %dma_wait3A_151 = arith.constant 0 : i32
        %dma_wait3A_152 = arith.constant 0 : i32
        %dma_wait3A_153 = tpu.memref_slice %arg7[%rem3A_145, %dma_wait3A_151, %dma_wait3A_152] : memref<2x128x128xf32, #tpu.memory_space<vmem>> -> memref<1x128x128xf32, #tpu.memory_space<vmem>>
        %dma_wait3A_154 = tpu.memref_squeeze %dma_wait3A_153 : memref<1x128x128xf32, #tpu.memory_space<vmem>> -> memref<128x128xf32, #tpu.memory_space<vmem>>
        %dma_wait3A_155 = arith.constant 0 : i32
        %dma_wait3A_156 = tpu.memref_slice %arg6[%rem3A_149, %dma_wait3A_150, %dma_wait3A_155] : memref<3x2x128xi32, #tpu.memory_space<vmem>> -> memref<1x1x128xi32, #tpu.memory_space<vmem>>
        %dma_wait3A_157 = tpu.memref_squeeze %dma_wait3A_156 : memref<1x1x128xi32, #tpu.memory_space<vmem>> -> memref<128xi32, #tpu.memory_space<vmem>>
        %dma_wait3A_158 = arith.constant 0 : i32
        %dma_wait3A_159 = arith.constant 0 : i32
        %dma_wait3A_160 = tpu.memref_slice %arg8[%dma_wait3A_158, %dma_wait3A_159] : memref<10240x128xf32, #tpu.memory_space<vmem_shared>> -> memref<10240x128xf32, #tpu.memory_space<vmem_shared>>
        tpu.wait_indirect_dma semaphore(%arg11 : memref<!tpu.dma_semaphore, #tpu.memory_space<semaphore_mem>>) src(%dma_wait3A_154 : memref<128x128xf32, #tpu.memory_space<vmem>>) dst(%dma_wait3A_160 : memref<10240x128xf32, #tpu.memory_space<vmem_shared>>)
      } else {
      }
      %add3A_131 = arith.constant 2 : i32
      %add3A_132 = arith.addi %while3A_102, %add3A_131 : i32
      %lt3A = arith.cmpi slt, %add3A_132, %select_n3A_10 : i32
      %convert_element_type3A_133 = arith.extui %lt3A : i1 to i32
      %cond3A_134 = arith.constant 0 : i32
      %cond3A_135 = arith.cmpi ne, %convert_element_type3A_133, %cond3A_134 : i32
      scf.if %cond3A_135 {
        %add3A_142 = arith.constant 2 : i32
        %add3A_143 = arith.addi %while3A_102, %add3A_142 : i32
        %rem3A_144 = arith.constant 3 : i32
        %rem3A_145 = arith.remsi %add3A_143, %rem3A_144 : i32
        %add3A_146 = arith.addi %select_n3A, %while3A_102 : i32
        %add3A_147 = arith.constant 2 : i32
        %add3A_148 = arith.addi %add3A_146, %add3A_147 : i32
        %dma_start3A_149 = arith.constant 0 : i32
        %dma_start3A_150 = arith.constant 0 : i32
        %dma_start3A_151 = tpu.memref_slice %arg6[%rem3A_145, %dma_start3A_149, %dma_start3A_150] : memref<3x2x128xi32, #tpu.memory_space<vmem>> -> memref<1x2x128xi32, #tpu.memory_space<vmem>>
        %dma_start3A_152 = tpu.memref_squeeze %dma_start3A_151 : memref<1x2x128xi32, #tpu.memory_space<vmem>> -> memref<2x128xi32, #tpu.memory_space<vmem>>
        %dma_start3A_153 = arith.constant 0 : i32
        %dma_start3A_154 = arith.constant 0 : i32
        %dma_start3A_155 = tpu.memref_slice %arg3[%add3A_148, %dma_start3A_153, %dma_start3A_154] : memref<2528x2x128xi32, #tpu.memory_space<hbm>> -> memref<1x2x128xi32, #tpu.memory_space<hbm>>
        %dma_start3A_156 = tpu.memref_squeeze %dma_start3A_155 : memref<1x2x128xi32, #tpu.memory_space<hbm>> -> memref<2x128xi32, #tpu.memory_space<hbm>>
        %dma_start3A_157 = arith.constant 0 : i32
        %dma_start3A_158 = arith.constant 0 : i32
        %dma_start3A_159 = tpu.memref_slice %arg6[%rem3A_145, %dma_start3A_157, %dma_start3A_158] : memref<3x2x128xi32, #tpu.memory_space<vmem>> -> memref<1x2x128xi32, #tpu.memory_space<vmem>>
        %dma_start3A_160 = tpu.memref_squeeze %dma_start3A_159 : memref<1x2x128xi32, #tpu.memory_space<vmem>> -> memref<2x128xi32, #tpu.memory_space<vmem>>
        %dma_start3A_161 = arith.constant 0 : i32
        %dma_start3A_162 = arith.constant 0 : i32
        %dma_start3A_163 = tpu.memref_slice %arg3[%add3A_148, %dma_start3A_161, %dma_start3A_162] : memref<2528x2x128xi32, #tpu.memory_space<hbm>> -> memref<1x2x128xi32, #tpu.memory_space<hbm>>
        %dma_start3A_164 = tpu.memref_squeeze %dma_start3A_163 : memref<1x2x128xi32, #tpu.memory_space<hbm>> -> memref<2x128xi32, #tpu.memory_space<hbm>>
        tpu.enqueue_dma source(%dma_start3A_164 : memref<2x128xi32, #tpu.memory_space<hbm>>) target(%dma_start3A_160 : memref<2x128xi32, #tpu.memory_space<vmem>>) target_semaphore(%arg9 : memref<!tpu.dma_semaphore, #tpu.memory_space<semaphore_mem>>)
      } else {
      }
      %add3A_136 = arith.constant 1 : i32
      %add3A_137 = arith.addi %while3A_102, %add3A_136 : i32
      %lt3A_138 = arith.cmpi slt, %add3A_137, %select_n3A_10 : i32
      %convert_element_type3A_139 = arith.extui %lt3A_138 : i1 to i32
      %cond3A_140 = arith.constant 0 : i32
      %cond3A_141 = arith.cmpi ne, %convert_element_type3A_139, %cond3A_140 : i32
      scf.if %cond3A_141 {
        %add3A_142 = arith.constant 1 : i32
        %add3A_143 = arith.addi %while3A_102, %add3A_142 : i32
        %rem3A_144 = arith.constant 2 : i32
        %rem3A_145 = arith.remsi %add3A_143, %rem3A_144 : i32
        %add3A_146 = arith.constant 1 : i32
        %add3A_147 = arith.addi %while3A_102, %add3A_146 : i32
        %rem3A_148 = arith.constant 3 : i32
        %rem3A_149 = arith.remsi %add3A_147, %rem3A_148 : i32
        %add3A_150 = arith.addi %select_n3A, %while3A_102 : i32
        %add3A_151 = arith.constant 1 : i32
        %add3A_152 = arith.addi %add3A_150, %add3A_151 : i32
        %dma_wait3A_153 = arith.constant 0 : i32
        %dma_wait3A_154 = arith.constant 0 : i32
        %dma_wait3A_155 = tpu.memref_slice %arg6[%rem3A_149, %dma_wait3A_153, %dma_wait3A_154] : memref<3x2x128xi32, #tpu.memory_space<vmem>> -> memref<1x2x128xi32, #tpu.memory_space<vmem>>
        %dma_wait3A_156 = tpu.memref_squeeze %dma_wait3A_155 : memref<1x2x128xi32, #tpu.memory_space<vmem>> -> memref<2x128xi32, #tpu.memory_space<vmem>>
        %dma_wait3A_157 = arith.constant 0 : i32
        %dma_wait3A_158 = arith.constant 0 : i32
        %dma_wait3A_159 = tpu.memref_slice %arg3[%add3A_152, %dma_wait3A_157, %dma_wait3A_158] : memref<2528x2x128xi32, #tpu.memory_space<hbm>> -> memref<1x2x128xi32, #tpu.memory_space<hbm>>
        %dma_wait3A_160 = tpu.memref_squeeze %dma_wait3A_159 : memref<1x2x128xi32, #tpu.memory_space<hbm>> -> memref<2x128xi32, #tpu.memory_space<hbm>>
        %dma_wait3A_161 = arith.constant 0 : i32
        %dma_wait3A_162 = arith.constant 0 : i32
        %dma_wait3A_163 = tpu.memref_slice %arg6[%rem3A_149, %dma_wait3A_161, %dma_wait3A_162] : memref<3x2x128xi32, #tpu.memory_space<vmem>> -> memref<1x2x128xi32, #tpu.memory_space<vmem>>
        %dma_wait3A_164 = tpu.memref_squeeze %dma_wait3A_163 : memref<1x2x128xi32, #tpu.memory_space<vmem>> -> memref<2x128xi32, #tpu.memory_space<vmem>>
        %dma_wait3A_165 = arith.constant 0 : i32
        %dma_wait3A_166 = arith.constant 0 : i32
        %dma_wait3A_167 = tpu.memref_slice %arg3[%add3A_152, %dma_wait3A_165, %dma_wait3A_166] : memref<2528x2x128xi32, #tpu.memory_space<hbm>> -> memref<1x2x128xi32, #tpu.memory_space<hbm>>
        %dma_wait3A_168 = tpu.memref_squeeze %dma_wait3A_167 : memref<1x2x128xi32, #tpu.memory_space<hbm>> -> memref<2x128xi32, #tpu.memory_space<hbm>>
        tpu.wait_dma2 semaphore(%arg9 : memref<!tpu.dma_semaphore, #tpu.memory_space<semaphore_mem>>) src(%dma_wait3A_168 : memref<2x128xi32, #tpu.memory_space<hbm>>) dst(%dma_wait3A_164 : memref<2x128xi32, #tpu.memory_space<vmem>>)
        %dma_start3A_169 = arith.constant 0 : i32
        %dma_start3A_170 = arith.constant 0 : i32
        %dma_start3A_171 = arith.constant 0 : i32
        %dma_start3A_172 = tpu.memref_slice %arg7[%rem3A_145, %dma_start3A_170, %dma_start3A_171] : memref<2x128x128xf32, #tpu.memory_space<vmem>> -> memref<1x128x128xf32, #tpu.memory_space<vmem>>
        %dma_start3A_173 = tpu.memref_squeeze %dma_start3A_172 : memref<1x128x128xf32, #tpu.memory_space<vmem>> -> memref<128x128xf32, #tpu.memory_space<vmem>>
        %dma_start3A_174 = arith.constant 0 : i32
        %dma_start3A_175 = tpu.memref_slice %arg6[%rem3A_149, %dma_start3A_169, %dma_start3A_174] : memref<3x2x128xi32, #tpu.memory_space<vmem>> -> memref<1x1x128xi32, #tpu.memory_space<vmem>>
        %dma_start3A_176 = tpu.memref_squeeze %dma_start3A_175 : memref<1x1x128xi32, #tpu.memory_space<vmem>> -> memref<128xi32, #tpu.memory_space<vmem>>
        %dma_start3A_177 = arith.constant 0 : i32
        %dma_start3A_178 = arith.constant 0 : i32
        %dma_start3A_179 = tpu.memref_slice %arg2[%dma_start3A_177, %dma_start3A_178] : memref<10240x128xf32, #tpu.memory_space<hbm>> -> memref<10240x128xf32, #tpu.memory_space<hbm>>
        tpu.enqueue_indirect_dma source(%dma_start3A_179 : memref<10240x128xf32, #tpu.memory_space<hbm>>) target(%dma_start3A_173 : memref<128x128xf32, #tpu.memory_space<vmem>>) offsets(%dma_start3A_176 : memref<128xi32, #tpu.memory_space<vmem>>) semaphore(%arg10 : memref<!tpu.dma_semaphore, #tpu.memory_space<semaphore_mem>>)
      } else {
      }
    }
    %while3A_83 = arith.constant 1 : i32
    scf.for %while3A_102 = %while3A_81 to %while3A_77 step %while3A_83  : i32 {
      %rem3A_103 = arith.constant 2 : i32
      %rem3A_104 = arith.remsi %while3A_102, %rem3A_103 : i32
      %rem3A_105 = arith.constant 3 : i32
      %rem3A_106 = arith.remsi %while3A_102, %rem3A_105 : i32
      %dma_wait3A_107 = arith.constant 0 : i32
      %dma_wait3A_108 = arith.constant 0 : i32
      %dma_wait3A_109 = arith.constant 0 : i32
      %dma_wait3A_110 = tpu.memref_slice %arg7[%rem3A_104, %dma_wait3A_108, %dma_wait3A_109] : memref<2x128x128xf32, #tpu.memory_space<vmem>> -> memref<1x128x128xf32, #tpu.memory_space<vmem>>
      %dma_wait3A_111 = tpu.memref_squeeze %dma_wait3A_110 : memref<1x128x128xf32, #tpu.memory_space<vmem>> -> memref<128x128xf32, #tpu.memory_space<vmem>>
      %dma_wait3A_112 = arith.constant 0 : i32
      %dma_wait3A_113 = tpu.memref_slice %arg6[%rem3A_106, %dma_wait3A_107, %dma_wait3A_112] : memref<3x2x128xi32, #tpu.memory_space<vmem>> -> memref<1x1x128xi32, #tpu.memory_space<vmem>>
      %dma_wait3A_114 = tpu.memref_squeeze %dma_wait3A_113 : memref<1x1x128xi32, #tpu.memory_space<vmem>> -> memref<128xi32, #tpu.memory_space<vmem>>
      %dma_wait3A_115 = arith.constant 0 : i32
      %dma_wait3A_116 = arith.constant 0 : i32
      %dma_wait3A_117 = tpu.memref_slice %arg2[%dma_wait3A_115, %dma_wait3A_116] : memref<10240x128xf32, #tpu.memory_space<hbm>> -> memref<10240x128xf32, #tpu.memory_space<hbm>>
      tpu.wait_indirect_dma semaphore(%arg10 : memref<!tpu.dma_semaphore, #tpu.memory_space<semaphore_mem>>) src(%dma_wait3A_117 : memref<10240x128xf32, #tpu.memory_space<hbm>>) dst(%dma_wait3A_111 : memref<128x128xf32, #tpu.memory_space<vmem>>)
      %dma_start3A_118 = arith.constant 1 : i32
      %dma_start3A_119 = arith.constant 0 : i32
      %dma_start3A_120 = arith.constant 0 : i32
      %dma_start3A_121 = tpu.memref_slice %arg7[%rem3A_104, %dma_start3A_119, %dma_start3A_120] : memref<2x128x128xf32, #tpu.memory_space<vmem>> -> memref<1x128x128xf32, #tpu.memory_space<vmem>>
      %dma_start3A_122 = tpu.memref_squeeze %dma_start3A_121 : memref<1x128x128xf32, #tpu.memory_space<vmem>> -> memref<128x128xf32, #tpu.memory_space<vmem>>
      %dma_start3A_123 = arith.constant 0 : i32
      %dma_start3A_124 = tpu.memref_slice %arg6[%rem3A_106, %dma_start3A_118, %dma_start3A_123] : memref<3x2x128xi32, #tpu.memory_space<vmem>> -> memref<1x1x128xi32, #tpu.memory_space<vmem>>
      %dma_start3A_125 = tpu.memref_squeeze %dma_start3A_124 : memref<1x1x128xi32, #tpu.memory_space<vmem>> -> memref<128xi32, #tpu.memory_space<vmem>>
      %dma_start3A_126 = arith.constant 0 : i32
      %dma_start3A_127 = arith.constant 0 : i32
      %dma_start3A_128 = tpu.memref_slice %arg8[%dma_start3A_126, %dma_start3A_127] : memref<10240x128xf32, #tpu.memory_space<vmem_shared>> -> memref<10240x128xf32, #tpu.memory_space<vmem_shared>>
      tpu.enqueue_indirect_dma source(%dma_start3A_122 : memref<128x128xf32, #tpu.memory_space<vmem>>) target(%dma_start3A_128 : memref<10240x128xf32, #tpu.memory_space<vmem_shared>>) offsets(%dma_start3A_125 : memref<128xi32, #tpu.memory_space<vmem>>) semaphore(%arg11 : memref<!tpu.dma_semaphore, #tpu.memory_space<semaphore_mem>>) {add = true}
      %ge3A = arith.constant 1 : i32
      %ge3A_129 = arith.cmpi sge, %while3A_102, %ge3A : i32
      %convert_element_type3A = arith.extui %ge3A_129 : i1 to i32
      %cond3A = arith.constant 0 : i32
      %cond3A_130 = arith.cmpi ne, %convert_element_type3A, %cond3A : i32
      scf.if %cond3A_130 {
        %add3A_142 = arith.constant 1 : i32
        %add3A_143 = arith.addi %while3A_102, %add3A_142 : i32
        %rem3A_144 = arith.constant 2 : i32
        %rem3A_145 = arith.remsi %add3A_143, %rem3A_144 : i32
        %add3A_146 = arith.constant 2 : i32
        %add3A_147 = arith.addi %while3A_102, %add3A_146 : i32
        %rem3A_148 = arith.constant 3 : i32
        %rem3A_149 = arith.remsi %add3A_147, %rem3A_148 : i32
        %dma_wait3A_150 = arith.constant 1 : i32
        %dma_wait3A_151 = arith.constant 0 : i32
        %dma_wait3A_152 = arith.constant 0 : i32
        %dma_wait3A_153 = tpu.memref_slice %arg7[%rem3A_145, %dma_wait3A_151, %dma_wait3A_152] : memref<2x128x128xf32, #tpu.memory_space<vmem>> -> memref<1x128x128xf32, #tpu.memory_space<vmem>>
        %dma_wait3A_154 = tpu.memref_squeeze %dma_wait3A_153 : memref<1x128x128xf32, #tpu.memory_space<vmem>> -> memref<128x128xf32, #tpu.memory_space<vmem>>
        %dma_wait3A_155 = arith.constant 0 : i32
        %dma_wait3A_156 = tpu.memref_slice %arg6[%rem3A_149, %dma_wait3A_150, %dma_wait3A_155] : memref<3x2x128xi32, #tpu.memory_space<vmem>> -> memref<1x1x128xi32, #tpu.memory_space<vmem>>
        %dma_wait3A_157 = tpu.memref_squeeze %dma_wait3A_156 : memref<1x1x128xi32, #tpu.memory_space<vmem>> -> memref<128xi32, #tpu.memory_space<vmem>>
        %dma_wait3A_158 = arith.constant 0 : i32
        %dma_wait3A_159 = arith.constant 0 : i32
        %dma_wait3A_160 = tpu.memref_slice %arg8[%dma_wait3A_158, %dma_wait3A_159] : memref<10240x128xf32, #tpu.memory_space<vmem_shared>> -> memref<10240x128xf32, #tpu.memory_space<vmem_shared>>
        tpu.wait_indirect_dma semaphore(%arg11 : memref<!tpu.dma_semaphore, #tpu.memory_space<semaphore_mem>>) src(%dma_wait3A_154 : memref<128x128xf32, #tpu.memory_space<vmem>>) dst(%dma_wait3A_160 : memref<10240x128xf32, #tpu.memory_space<vmem_shared>>)
      } else {
      }
      %add3A_131 = arith.constant 2 : i32
      %add3A_132 = arith.addi %while3A_102, %add3A_131 : i32
      %lt3A = arith.cmpi slt, %add3A_132, %select_n3A_10 : i32
      %convert_element_type3A_133 = arith.extui %lt3A : i1 to i32
      %cond3A_134 = arith.constant 0 : i32
      %cond3A_135 = arith.cmpi ne, %convert_element_type3A_133, %cond3A_134 : i32
      scf.if %cond3A_135 {
        %add3A_142 = arith.constant 2 : i32
        %add3A_143 = arith.addi %while3A_102, %add3A_142 : i32
        %rem3A_144 = arith.constant 3 : i32
        %rem3A_145 = arith.remsi %add3A_143, %rem3A_144 : i32
        %add3A_146 = arith.addi %select_n3A, %while3A_102 : i32
        %add3A_147 = arith.constant 2 : i32
        %add3A_148 = arith.addi %add3A_146, %add3A_147 : i32
        %dma_start3A_149 = arith.constant 0 : i32
        %dma_start3A_150 = arith.constant 0 : i32
        %dma_start3A_151 = tpu.memref_slice %arg6[%rem3A_145, %dma_start3A_149, %dma_start3A_150] : memref<3x2x128xi32, #tpu.memory_space<vmem>> -> memref<1x2x128xi32, #tpu.memory_space<vmem>>
        %dma_start3A_152 = tpu.memref_squeeze %dma_start3A_151 : memref<1x2x128xi32, #tpu.memory_space<vmem>> -> memref<2x128xi32, #tpu.memory_space<vmem>>
        %dma_start3A_153 = arith.constant 0 : i32
        %dma_start3A_154 = arith.constant 0 : i32
        %dma_start3A_155 = tpu.memref_slice %arg3[%add3A_148, %dma_start3A_153, %dma_start3A_154] : memref<2528x2x128xi32, #tpu.memory_space<hbm>> -> memref<1x2x128xi32, #tpu.memory_space<hbm>>
        %dma_start3A_156 = tpu.memref_squeeze %dma_start3A_155 : memref<1x2x128xi32, #tpu.memory_space<hbm>> -> memref<2x128xi32, #tpu.memory_space<hbm>>
        %dma_start3A_157 = arith.constant 0 : i32
        %dma_start3A_158 = arith.constant 0 : i32
        %dma_start3A_159 = tpu.memref_slice %arg6[%rem3A_145, %dma_start3A_157, %dma_start3A_158] : memref<3x2x128xi32, #tpu.memory_space<vmem>> -> memref<1x2x128xi32, #tpu.memory_space<vmem>>
        %dma_start3A_160 = tpu.memref_squeeze %dma_start3A_159 : memref<1x2x128xi32, #tpu.memory_space<vmem>> -> memref<2x128xi32, #tpu.memory_space<vmem>>
        %dma_start3A_161 = arith.constant 0 : i32
        %dma_start3A_162 = arith.constant 0 : i32
        %dma_start3A_163 = tpu.memref_slice %arg3[%add3A_148, %dma_start3A_161, %dma_start3A_162] : memref<2528x2x128xi32, #tpu.memory_space<hbm>> -> memref<1x2x128xi32, #tpu.memory_space<hbm>>
        %dma_start3A_164 = tpu.memref_squeeze %dma_start3A_163 : memref<1x2x128xi32, #tpu.memory_space<hbm>> -> memref<2x128xi32, #tpu.memory_space<hbm>>
        tpu.enqueue_dma source(%dma_start3A_164 : memref<2x128xi32, #tpu.memory_space<hbm>>) target(%dma_start3A_160 : memref<2x128xi32, #tpu.memory_space<vmem>>) target_semaphore(%arg9 : memref<!tpu.dma_semaphore, #tpu.memory_space<semaphore_mem>>)
      } else {
      }
      %add3A_136 = arith.constant 1 : i32
      %add3A_137 = arith.addi %while3A_102, %add3A_136 : i32
      %lt3A_138 = arith.cmpi slt, %add3A_137, %select_n3A_10 : i32
      %convert_element_type3A_139 = arith.extui %lt3A_138 : i1 to i32
      %cond3A_140 = arith.constant 0 : i32
      %cond3A_141 = arith.cmpi ne, %convert_element_type3A_139, %cond3A_140 : i32
      scf.if %cond3A_141 {
        %add3A_142 = arith.constant 1 : i32
        %add3A_143 = arith.addi %while3A_102, %add3A_142 : i32
        %rem3A_144 = arith.constant 2 : i32
        %rem3A_145 = arith.remsi %add3A_143, %rem3A_144 : i32
        %add3A_146 = arith.constant 1 : i32
        %add3A_147 = arith.addi %while3A_102, %add3A_146 : i32
        %rem3A_148 = arith.constant 3 : i32
        %rem3A_149 = arith.remsi %add3A_147, %rem3A_148 : i32
        %add3A_150 = arith.addi %select_n3A, %while3A_102 : i32
        %add3A_151 = arith.constant 1 : i32
        %add3A_152 = arith.addi %add3A_150, %add3A_151 : i32
        %dma_wait3A_153 = arith.constant 0 : i32
        %dma_wait3A_154 = arith.constant 0 : i32
        %dma_wait3A_155 = tpu.memref_slice %arg6[%rem3A_149, %dma_wait3A_153, %dma_wait3A_154] : memref<3x2x128xi32, #tpu.memory_space<vmem>> -> memref<1x2x128xi32, #tpu.memory_space<vmem>>
        %dma_wait3A_156 = tpu.memref_squeeze %dma_wait3A_155 : memref<1x2x128xi32, #tpu.memory_space<vmem>> -> memref<2x128xi32, #tpu.memory_space<vmem>>
        %dma_wait3A_157 = arith.constant 0 : i32
        %dma_wait3A_158 = arith.constant 0 : i32
        %dma_wait3A_159 = tpu.memref_slice %arg3[%add3A_152, %dma_wait3A_157, %dma_wait3A_158] : memref<2528x2x128xi32, #tpu.memory_space<hbm>> -> memref<1x2x128xi32, #tpu.memory_space<hbm>>
        %dma_wait3A_160 = tpu.memref_squeeze %dma_wait3A_159 : memref<1x2x128xi32, #tpu.memory_space<hbm>> -> memref<2x128xi32, #tpu.memory_space<hbm>>
        %dma_wait3A_161 = arith.constant 0 : i32
        %dma_wait3A_162 = arith.constant 0 : i32
        %dma_wait3A_163 = tpu.memref_slice %arg6[%rem3A_149, %dma_wait3A_161, %dma_wait3A_162] : memref<3x2x128xi32, #tpu.memory_space<vmem>> -> memref<1x2x128xi32, #tpu.memory_space<vmem>>
        %dma_wait3A_164 = tpu.memref_squeeze %dma_wait3A_163 : memref<1x2x128xi32, #tpu.memory_space<vmem>> -> memref<2x128xi32, #tpu.memory_space<vmem>>
        %dma_wait3A_165 = arith.constant 0 : i32
        %dma_wait3A_166 = arith.constant 0 : i32
        %dma_wait3A_167 = tpu.memref_slice %arg3[%add3A_152, %dma_wait3A_165, %dma_wait3A_166] : memref<2528x2x128xi32, #tpu.memory_space<hbm>> -> memref<1x2x128xi32, #tpu.memory_space<hbm>>
        %dma_wait3A_168 = tpu.memref_squeeze %dma_wait3A_167 : memref<1x2x128xi32, #tpu.memory_space<hbm>> -> memref<2x128xi32, #tpu.memory_space<hbm>>
        tpu.wait_dma2 semaphore(%arg9 : memref<!tpu.dma_semaphore, #tpu.memory_space<semaphore_mem>>) src(%dma_wait3A_168 : memref<2x128xi32, #tpu.memory_space<hbm>>) dst(%dma_wait3A_164 : memref<2x128xi32, #tpu.memory_space<vmem>>)
        %dma_start3A_169 = arith.constant 0 : i32
        %dma_start3A_170 = arith.constant 0 : i32
        %dma_start3A_171 = arith.constant 0 : i32
        %dma_start3A_172 = tpu.memref_slice %arg7[%rem3A_145, %dma_start3A_170, %dma_start3A_171] : memref<2x128x128xf32, #tpu.memory_space<vmem>> -> memref<1x128x128xf32, #tpu.memory_space<vmem>>
        %dma_start3A_173 = tpu.memref_squeeze %dma_start3A_172 : memref<1x128x128xf32, #tpu.memory_space<vmem>> -> memref<128x128xf32, #tpu.memory_space<vmem>>
        %dma_start3A_174 = arith.constant 0 : i32
        %dma_start3A_175 = tpu.memref_slice %arg6[%rem3A_149, %dma_start3A_169, %dma_start3A_174] : memref<3x2x128xi32, #tpu.memory_space<vmem>> -> memref<1x1x128xi32, #tpu.memory_space<vmem>>
        %dma_start3A_176 = tpu.memref_squeeze %dma_start3A_175 : memref<1x1x128xi32, #tpu.memory_space<vmem>> -> memref<128xi32, #tpu.memory_space<vmem>>
        %dma_start3A_177 = arith.constant 0 : i32
        %dma_start3A_178 = arith.constant 0 : i32
        %dma_start3A_179 = tpu.memref_slice %arg2[%dma_start3A_177, %dma_start3A_178] : memref<10240x128xf32, #tpu.memory_space<hbm>> -> memref<10240x128xf32, #tpu.memory_space<hbm>>
        tpu.enqueue_indirect_dma source(%dma_start3A_179 : memref<10240x128xf32, #tpu.memory_space<hbm>>) target(%dma_start3A_173 : memref<128x128xf32, #tpu.memory_space<vmem>>) offsets(%dma_start3A_176 : memref<128xi32, #tpu.memory_space<vmem>>) semaphore(%arg10 : memref<!tpu.dma_semaphore, #tpu.memory_space<semaphore_mem>>)
      } else {
      }
    }
    %sub3A = arith.constant 1 : i32
    %sub3A_84 = arith.subi %select_n3A_10, %sub3A : i32
    %rem3A = arith.constant 2 : i32
    %rem3A_85 = arith.remsi %sub3A_84, %rem3A : i32
    %sub3A_86 = arith.constant 1 : i32
    %sub3A_87 = arith.subi %select_n3A_10, %sub3A_86 : i32
    %rem3A_88 = arith.constant 3 : i32
    %rem3A_89 = arith.remsi %sub3A_87, %rem3A_88 : i32
    %dma_wait3A_90 = arith.constant 1 : i32
    %dma_wait3A_91 = arith.constant 0 : i32
    %dma_wait3A_92 = arith.constant 0 : i32
    %dma_wait3A_93 = tpu.memref_slice %arg7[%rem3A_85, %dma_wait3A_91, %dma_wait3A_92] : memref<2x128x128xf32, #tpu.memory_space<vmem>> -> memref<1x128x128xf32, #tpu.memory_space<vmem>>
    %dma_wait3A_94 = tpu.memref_squeeze %dma_wait3A_93 : memref<1x128x128xf32, #tpu.memory_space<vmem>> -> memref<128x128xf32, #tpu.memory_space<vmem>>
    %dma_wait3A_95 = arith.constant 0 : i32
    %dma_wait3A_96 = tpu.memref_slice %arg6[%rem3A_89, %dma_wait3A_90, %dma_wait3A_95] : memref<3x2x128xi32, #tpu.memory_space<vmem>> -> memref<1x1x128xi32, #tpu.memory_space<vmem>>
    %dma_wait3A_97 = tpu.memref_squeeze %dma_wait3A_96 : memref<1x1x128xi32, #tpu.memory_space<vmem>> -> memref<128xi32, #tpu.memory_space<vmem>>
    %dma_wait3A_98 = arith.constant 0 : i32
    %dma_wait3A_99 = arith.constant 0 : i32
    %dma_wait3A_100 = tpu.memref_slice %arg8[%dma_wait3A_98, %dma_wait3A_99] : memref<10240x128xf32, #tpu.memory_space<vmem_shared>> -> memref<10240x128xf32, #tpu.memory_space<vmem_shared>>
    tpu.wait_indirect_dma semaphore(%arg11 : memref<!tpu.dma_semaphore, #tpu.memory_space<semaphore_mem>>) src(%dma_wait3A_94 : memref<128x128xf32, #tpu.memory_space<vmem>>) dst(%dma_wait3A_100 : memref<10240x128xf32, #tpu.memory_space<vmem_shared>>)
    %barrier3A_101 = arith.constant 0 : index
    tpu.barrier barrier_id(%barrier3A_101)
    "tpu.region"() ({
      %run_scoped3A = tpu.sem_alloc : memref<!tpu.dma_semaphore, #tpu.memory_space<semaphore_mem>>
      %dma_start3A_102 = arith.constant 0 : i32
      %dma_start3A_103 = tpu.memref_slice %arg5[%arg0, %mul3A_0, %dma_start3A_102] : memref<2x10240x128xf32, #tpu.memory_space<hbm>> -> memref<1x640x128xf32, #tpu.memory_space<hbm>>
      %dma_start3A_104 = tpu.memref_squeeze %dma_start3A_103 : memref<1x640x128xf32, #tpu.memory_space<hbm>> -> memref<640x128xf32, #tpu.memory_space<hbm>>
      %dma_start3A_105 = arith.constant 0 : i32
      %dma_start3A_106 = tpu.memref_slice %arg8[%mul3A_0, %dma_start3A_105] : memref<10240x128xf32, #tpu.memory_space<vmem_shared>> -> memref<640x128xf32, #tpu.memory_space<vmem_shared>>
      tpu.enqueue_dma source(%dma_start3A_106 : memref<640x128xf32, #tpu.memory_space<vmem_shared>>) target(%dma_start3A_104 : memref<640x128xf32, #tpu.memory_space<hbm>>) target_semaphore(%run_scoped3A : memref<!tpu.dma_semaphore, #tpu.memory_space<semaphore_mem>>)
      %dma_wait3A_107 = arith.constant 0 : i32
      %dma_wait3A_108 = tpu.memref_slice %arg5[%arg0, %mul3A_0, %dma_wait3A_107] : memref<2x10240x128xf32, #tpu.memory_space<hbm>> -> memref<1x640x128xf32, #tpu.memory_space<hbm>>
      %dma_wait3A_109 = tpu.memref_squeeze %dma_wait3A_108 : memref<1x640x128xf32, #tpu.memory_space<hbm>> -> memref<640x128xf32, #tpu.memory_space<hbm>>
      %dma_wait3A_110 = arith.constant 0 : i32
      %dma_wait3A_111 = tpu.memref_slice %arg8[%mul3A_0, %dma_wait3A_110] : memref<10240x128xf32, #tpu.memory_space<vmem_shared>> -> memref<640x128xf32, #tpu.memory_space<vmem_shared>>
      tpu.wait_dma2 semaphore(%run_scoped3A : memref<!tpu.dma_semaphore, #tpu.memory_space<semaphore_mem>>) src(%dma_wait3A_111 : memref<640x128xf32, #tpu.memory_space<vmem_shared>>) dst(%dma_wait3A_109 : memref<640x128xf32, #tpu.memory_space<hbm>>)
      tpu.yield
    }) : () -> ()
    return
  }
}

module attributes {stable_mosaic.version = 14 : i64} {
  func.func @body(%arg0: memref<10240x128xf32, #tpu.memory_space<vmem>>, %arg1: memref<10240x128xf32, #tpu.memory_space<vmem>>, %arg2: memref<10240x128xf32, #tpu.memory_space<vmem>>, %arg3: memref<128x32xf32, #tpu.memory_space<vmem>>, %arg4: memref<1x32xf32, #tpu.memory_space<vmem>>, %arg5: memref<32x32xf32, #tpu.memory_space<vmem>>, %arg6: memref<1x32xf32, #tpu.memory_space<vmem>>, %arg7: memref<10240x32xf32, #tpu.memory_space<vmem>>) attributes {dimension_semantics = [], scalar_prefetch = 0 : i64, scratch_operands = 0 : i64, tpu.core_type = #tpu.core_type<tc>} {
    %get3A = arith.constant 0 : index
    %get3A_0 = arith.constant 0 : index
    %get3A_1 = vector.load %arg0[%get3A, %get3A_0] : memref<10240x128xf32, #tpu.memory_space<vmem>>, vector<10240x128xf32>
    %get3A_2 = arith.constant 0 : index
    %get3A_3 = arith.constant 0 : index
    %get3A_4 = vector.load %arg1[%get3A_2, %get3A_3] : memref<10240x128xf32, #tpu.memory_space<vmem>>, vector<10240x128xf32>
    %get3A_5 = arith.constant 0 : index
    %get3A_6 = arith.constant 0 : index
    %get3A_7 = vector.load %arg2[%get3A_5, %get3A_6] : memref<10240x128xf32, #tpu.memory_space<vmem>>, vector<10240x128xf32>
    %add3A = arith.addf %get3A_4, %get3A_7 : vector<10240x128xf32>
    %add3A_8 = arith.addf %get3A_1, %add3A : vector<10240x128xf32>
    %get3A_9 = arith.constant 0 : index
    %get3A_10 = arith.constant 0 : index
    %get3A_11 = vector.load %arg3[%get3A_9, %get3A_10] : memref<128x32xf32, #tpu.memory_space<vmem>>, vector<128x32xf32>
    %dot_general3A = arith.constant dense<0.000000e+00> : vector<10240x32xf32>
    %dot_general3A_12 = tpu.matmul %add3A_8, %get3A_11, %dot_general3A {dimension_numbers = #tpu.dot_dimension_numbers<[1], [0], [0], [1], [0, 0, 1, 1], [], []>, transpose_lhs_hint = false} : vector<10240x128xf32>, vector<128x32xf32>, vector<10240x32xf32> -> vector<10240x32xf32>
    %get3A_13 = arith.constant 0 : index
    %get3A_14 = arith.constant 0 : index
    %get3A_15 = vector.load %arg4[%get3A_13, %get3A_14] : memref<1x32xf32, #tpu.memory_space<vmem>>, vector<1x32xf32>
    %add3A_16 = vector.broadcast %get3A_15 : vector<1x32xf32> to vector<10240x32xf32>
    %add3A_17 = arith.addf %dot_general3A_12, %add3A_16 : vector<10240x32xf32>
    %max3A = arith.constant 0.000000e+00 : f32
    %max3A_18 = vector.broadcast %max3A : f32 to vector<10240x32xf32>
    %max3A_19 = arith.maximumf %add3A_17, %max3A_18 : vector<10240x32xf32>
    %get3A_20 = arith.constant 0 : index
    %get3A_21 = arith.constant 0 : index
    %get3A_22 = vector.load %arg5[%get3A_20, %get3A_21] : memref<32x32xf32, #tpu.memory_space<vmem>>, vector<32x32xf32>
    %dot_general3A_23 = arith.constant dense<0.000000e+00> : vector<10240x32xf32>
    %dot_general3A_24 = tpu.matmul %max3A_19, %get3A_22, %dot_general3A_23 {dimension_numbers = #tpu.dot_dimension_numbers<[1], [0], [0], [1], [0, 0, 1, 1], [], []>, transpose_lhs_hint = false} : vector<10240x32xf32>, vector<32x32xf32>, vector<10240x32xf32> -> vector<10240x32xf32>
    %get3A_25 = arith.constant 0 : index
    %get3A_26 = arith.constant 0 : index
    %get3A_27 = vector.load %arg6[%get3A_25, %get3A_26] : memref<1x32xf32, #tpu.memory_space<vmem>>, vector<1x32xf32>
    %add3A_28 = vector.broadcast %get3A_27 : vector<1x32xf32> to vector<10240x32xf32>
    %add3A_29 = arith.addf %dot_general3A_24, %add3A_28 : vector<10240x32xf32>
    %max3A_30 = arith.constant 0.000000e+00 : f32
    %max3A_31 = vector.broadcast %max3A_30 : f32 to vector<10240x32xf32>
    %max3A_32 = arith.maximumf %add3A_29, %max3A_31 : vector<10240x32xf32>
    %swap3A = arith.constant 0 : index
    %swap3A_33 = arith.constant 0 : index
    %swap3A_34 = vector.load %arg7[%swap3A, %swap3A_33] : memref<10240x32xf32, #tpu.memory_space<vmem>>, vector<10240x32xf32>
    tpu.vector_store %arg7[%swap3A, %swap3A_33], %max3A_32 {strides = array<i32>} : memref<10240x32xf32, #tpu.memory_space<vmem>>, vector<10240x32xf32>,
    return
  }
}

module attributes {stable_mosaic.version = 14 : i64} {
  func.func @body(%arg0: memref<10240x32xf32, #tpu.memory_space<vmem>>, %arg1: memref<10240x32xf32, #tpu.memory_space<vmem>>, %arg2: memref<10240x32xf32, #tpu.memory_space<vmem>>, %arg3: memref<32x32xf32, #tpu.memory_space<vmem>>, %arg4: memref<1x32xf32, #tpu.memory_space<vmem>>, %arg5: memref<32x1xf32, #tpu.memory_space<vmem>>, %arg6: memref<1x1xf32, #tpu.memory_space<vmem>>, %arg7: memref<10240x1xf32, #tpu.memory_space<vmem>>) attributes {dimension_semantics = [], scalar_prefetch = 0 : i64, scratch_operands = 0 : i64, tpu.core_type = #tpu.core_type<tc>} {
    %get3A = arith.constant 0 : index
    %get3A_0 = arith.constant 0 : index
    %get3A_1 = vector.load %arg0[%get3A, %get3A_0] : memref<10240x32xf32, #tpu.memory_space<vmem>>, vector<10240x32xf32>
    %get3A_2 = arith.constant 0 : index
    %get3A_3 = arith.constant 0 : index
    %get3A_4 = vector.load %arg1[%get3A_2, %get3A_3] : memref<10240x32xf32, #tpu.memory_space<vmem>>, vector<10240x32xf32>
    %get3A_5 = arith.constant 0 : index
    %get3A_6 = arith.constant 0 : index
    %get3A_7 = vector.load %arg2[%get3A_5, %get3A_6] : memref<10240x32xf32, #tpu.memory_space<vmem>>, vector<10240x32xf32>
    %add3A = arith.addf %get3A_4, %get3A_7 : vector<10240x32xf32>
    %add3A_8 = arith.addf %get3A_1, %add3A : vector<10240x32xf32>
    %get3A_9 = arith.constant 0 : index
    %get3A_10 = arith.constant 0 : index
    %get3A_11 = vector.load %arg3[%get3A_9, %get3A_10] : memref<32x32xf32, #tpu.memory_space<vmem>>, vector<32x32xf32>
    %dot_general3A = arith.constant dense<0.000000e+00> : vector<10240x32xf32>
    %dot_general3A_12 = tpu.matmul %add3A_8, %get3A_11, %dot_general3A {dimension_numbers = #tpu.dot_dimension_numbers<[1], [0], [0], [1], [0, 0, 1, 1], [], []>, transpose_lhs_hint = false} : vector<10240x32xf32>, vector<32x32xf32>, vector<10240x32xf32> -> vector<10240x32xf32>
    %get3A_13 = arith.constant 0 : index
    %get3A_14 = arith.constant 0 : index
    %get3A_15 = vector.load %arg4[%get3A_13, %get3A_14] : memref<1x32xf32, #tpu.memory_space<vmem>>, vector<1x32xf32>
    %add3A_16 = vector.broadcast %get3A_15 : vector<1x32xf32> to vector<10240x32xf32>
    %add3A_17 = arith.addf %dot_general3A_12, %add3A_16 : vector<10240x32xf32>
    %max3A = arith.constant 0.000000e+00 : f32
    %max3A_18 = vector.broadcast %max3A : f32 to vector<10240x32xf32>
    %max3A_19 = arith.maximumf %add3A_17, %max3A_18 : vector<10240x32xf32>
    %get3A_20 = arith.constant 0 : index
    %get3A_21 = arith.constant 0 : index
    %get3A_22 = vector.load %arg5[%get3A_20, %get3A_21] : memref<32x1xf32, #tpu.memory_space<vmem>>, vector<32x1xf32>
    %dot_general3A_23 = arith.constant dense<0.000000e+00> : vector<10240x1xf32>
    %dot_general3A_24 = tpu.matmul %max3A_19, %get3A_22, %dot_general3A_23 {dimension_numbers = #tpu.dot_dimension_numbers<[1], [0], [0], [1], [0, 0, 1, 1], [], []>, transpose_lhs_hint = false} : vector<10240x32xf32>, vector<32x1xf32>, vector<10240x1xf32> -> vector<10240x1xf32>
    %get3A_25 = arith.constant 0 : index
    %get3A_26 = arith.constant 0 : index
    %get3A_27 = vector.load %arg6[%get3A_25, %get3A_26] : memref<1x1xf32, #tpu.memory_space<vmem>>, vector<1x1xf32>
    %add3A_28 = vector.broadcast %get3A_27 : vector<1x1xf32> to vector<10240x1xf32>
    %add3A_29 = arith.addf %dot_general3A_24, %add3A_28 : vector<10240x1xf32>
    %logistic3A = arith.negf %add3A_29 : vector<10240x1xf32>
    %logistic3A_30 = math.exp %logistic3A : vector<10240x1xf32>
    %logistic3A_31 = arith.constant 1.000000e+00 : f32
    %logistic3A_32 = vector.broadcast %logistic3A_31 : f32 to vector<10240x1xf32>
    %logistic3A_33 = arith.addf %logistic3A_32, %logistic3A_30 : vector<10240x1xf32>
    %logistic3A_34 = arith.divf %logistic3A_32, %logistic3A_33 : vector<10240x1xf32>
    %swap3A = arith.constant 0 : index
    %swap3A_35 = arith.constant 0 : index
    %swap3A_36 = vector.load %arg7[%swap3A, %swap3A_35] : memref<10240x1xf32, #tpu.memory_space<vmem>>, vector<10240x1xf32>
    tpu.vector_store %arg7[%swap3A, %swap3A_35], %logistic3A_34 {strides = array<i32>} : memref<10240x1xf32, #tpu.memory_space<vmem>>, vector<10240x1xf32>,
    return
  }
}

module attributes {stable_mosaic.version = 14 : i64} {
  func.func @body(%arg0: memref<80x128xf32, #tpu.memory_space<vmem>>, %arg1: memref<80x128xf32, #tpu.memory_space<vmem>>, %arg2: memref<80x128xf32, #tpu.memory_space<vmem>>, %arg3: memref<80x128xf32, #tpu.memory_space<vmem>>) attributes {dimension_semantics = [], scalar_prefetch = 0 : i64, scratch_operands = 0 : i64, tpu.core_type = #tpu.core_type<tc>} {
    %get3A = arith.constant 0 : index
    %get3A_0 = arith.constant 0 : index
    %get3A_1 = vector.load %arg0[%get3A, %get3A_0] : memref<80x128xf32, #tpu.memory_space<vmem>>, vector<80x128xf32>
    %get3A_2 = arith.constant 0 : index
    %get3A_3 = arith.constant 0 : index
    %get3A_4 = vector.load %arg1[%get3A_2, %get3A_3] : memref<80x128xf32, #tpu.memory_space<vmem>>, vector<80x128xf32>
    %add3A = arith.addf %get3A_1, %get3A_4 : vector<80x128xf32>
    %iota3A = tpu.iota {dimensions = array<i32: 0>} : vector<80x128xi32>
    %iota3A_5 = tpu.iota {dimensions = array<i32: 1>} : vector<80x128xi32>
    %mul3A = arith.constant 128 : i32
    %mul3A_6 = vector.broadcast %mul3A : i32 to vector<80x128xi32>
    %mul3A_7 = arith.muli %iota3A, %mul3A_6 : vector<80x128xi32>
    %add3A_8 = arith.addi %mul3A_7, %iota3A_5 : vector<80x128xi32>
    %lt3A = arith.constant 10000 : i32
    %lt3A_9 = vector.broadcast %lt3A : i32 to vector<80x128xi32>
    %lt3A_10 = arith.cmpi slt, %add3A_8, %lt3A_9 : vector<80x128xi32>
    %jit3A = arith.constant 0x7F800000 : f32
    %broadcast_in_dim3A = vector.broadcast %jit3A : f32 to vector<80x128xf32>
    %select_n3A = arith.select %lt3A_10, %add3A, %broadcast_in_dim3A : vector<80x128xi1>, vector<80x128xf32>
    %reduce_min3A = vector.shape_cast %select_n3A : vector<80x128xf32> to vector<1x80x128xf32>
    %reduce_min3A_11 = arith.constant dense<0x7F800000> : vector<1xf32>
    %reduce_min3A_12 = vector.multi_reduction <minimumf>, %reduce_min3A, %reduce_min3A_11 [1, 2] : vector<1x80x128xf32> to vector<1xf32>
    %reduce_min3A_13 = vector.shape_cast %reduce_min3A_12 : vector<1xf32> to vector<1x1x1xf32>
    %reduce_min3A_14 = vector.extract %reduce_min3A_13[0, 0, 0] : f32 from vector<1x1x1xf32>
    %jit3A_15 = arith.constant 0xFF800000 : f32
    %broadcast_in_dim3A_16 = vector.broadcast %jit3A_15 : f32 to vector<80x128xf32>
    %select_n3A_17 = arith.select %lt3A_10, %add3A, %broadcast_in_dim3A_16 : vector<80x128xi1>, vector<80x128xf32>
    %reduce_max3A = vector.shape_cast %select_n3A_17 : vector<80x128xf32> to vector<1x80x128xf32>
    %reduce_max3A_18 = arith.constant dense<0xFF800000> : vector<1xf32>
    %reduce_max3A_19 = vector.multi_reduction <maximumf>, %reduce_max3A, %reduce_max3A_18 [1, 2] : vector<1x80x128xf32> to vector<1xf32>
    %reduce_max3A_20 = vector.shape_cast %reduce_max3A_19 : vector<1xf32> to vector<1x1x1xf32>
    %reduce_max3A_21 = vector.extract %reduce_max3A_20[0, 0, 0] : f32 from vector<1x1x1xf32>
    %sub3A = arith.subf %reduce_max3A_21, %reduce_min3A_14 : f32
    %sub3A_22 = vector.broadcast %reduce_min3A_14 : f32 to vector<80x128xf32>
    %sub3A_23 = arith.subf %add3A, %sub3A_22 : vector<80x128xf32>
    %gt3A = arith.constant 0.000000e+00 : f32
    %gt3A_24 = arith.cmpf ogt, %sub3A, %gt3A : f32
    %add3A_25 = arith.constant 9.99999974E-6 : f32
    %add3A_26 = arith.addf %sub3A, %add3A_25 : f32
    %div3A = vector.broadcast %add3A_26 : f32 to vector<80x128xf32>
    %div3A_27 = arith.divf %sub3A_23, %div3A : vector<80x128xf32>
    %select_n3A_28 = arith.select %gt3A_24, %div3A_27, %sub3A_23 : vector<80x128xf32>
    %get3A_29 = arith.constant 0 : index
    %get3A_30 = arith.constant 0 : index
    %get3A_31 = vector.load %arg2[%get3A_29, %get3A_30] : memref<80x128xf32, #tpu.memory_space<vmem>>, vector<80x128xf32>
    %add3A_32 = arith.addf %get3A_31, %select_n3A_28 : vector<80x128xf32>
    %jit3A_33 = arith.constant 1.000000e+09 : f32
    %broadcast_in_dim3A_34 = vector.broadcast %jit3A_33 : f32 to vector<80x128xf32>
    %select_n3A_35 = arith.select %lt3A_10, %add3A_32, %broadcast_in_dim3A_34 : vector<80x128xi1>, vector<80x128xf32>
    %swap3A = arith.constant 0 : index
    %swap3A_36 = arith.constant 0 : index
    %swap3A_37 = vector.load %arg3[%swap3A, %swap3A_36] : memref<80x128xf32, #tpu.memory_space<vmem>>, vector<80x128xf32>
    tpu.vector_store %arg3[%swap3A, %swap3A_36], %select_n3A_35 {strides = array<i32>} : memref<80x128xf32, #tpu.memory_space<vmem>>, vector<80x128xf32>,
    return
  }
}

module attributes {stable_mosaic.version = 14 : i64} {
  func.func @body(%arg0: i32, %arg1: memref<80x128xf32, #tpu.memory_space<vmem>>, %arg2: memref<80xi32, #tpu.memory_space<smem>>, %arg3: memref<80xi32, #tpu.memory_space<smem>>, %arg4: memref<80xi32, #tpu.memory_space<smem>>, %arg5: memref<80xi32, #tpu.memory_space<smem>>, %arg6: memref<1x1x128xi32, #tpu.memory_space<vmem>>, %arg7: memref<80x128xi32, #tpu.memory_space<vmem>>) attributes {dimension_semantics = [#tpu.dimension_semantics<arbitrary>], iteration_bounds = array<i64: 160>, scalar_prefetch = 0 : i64, scratch_operands = 1 : i64, tpu.core_type = #tpu.core_type<tc>, window_params = [{pipeline_mode = #tpu.pipeline_mode<synchronous>, transform_indices = @transform_0, window_bounds = array<i64: 80, 128>}, {transform_indices = @transform_1, window_bounds = array<i64: 80>}, {transform_indices = @transform_2, window_bounds = array<i64: 80>}, {transform_indices = @transform_3, window_bounds = array<i64: 80>}, {transform_indices = @transform_4, window_bounds = array<i64: 80>}, {transform_indices = @transform_5, window_bounds = array<i64: 1, 1, 128>}]} {
    %iota3A = tpu.iota {dimensions = array<i32: 0>} : vector<128x128xi32>
    %iota3A_0 = tpu.iota {dimensions = array<i32: 1>} : vector<128x128xi32>
    %eq3A = arith.cmpi eq, %iota3A, %iota3A_0 : vector<128x128xi32>
    %lt3A = arith.constant 80 : i32
    %lt3A_1 = arith.cmpi slt, %arg0, %lt3A : i32
    %convert_element_type3A = arith.extui %lt3A_1 : i1 to i32
    %cond3A = arith.constant 0 : i32
    %cond3A_2 = arith.cmpi ne, %convert_element_type3A, %cond3A : i32
    scf.if %cond3A_2 {
      %get3A = arith.index_cast %arg0 : i32 to index
      %get3A_7 = arith.constant 0 : index
      %get3A_8 = vector.load %arg1[%get3A, %get3A_7] : memref<80x128xf32, #tpu.memory_space<vmem>>, vector<1x128xf32>
      %jit3A = arith.constant 0.000000e+00 : f32
      %broadcast_in_dim3A = vector.shape_cast %get3A_8 : vector<1x128xf32> to vector<1x128xf32>
      %broadcast_in_dim3A_9 = vector.broadcast %broadcast_in_dim3A : vector<1x128xf32> to vector<128x128xf32>
      %broadcast_in_dim3A_10 = vector.broadcast %jit3A : f32 to vector<128x128xf32>
      %select_n3A = arith.select %eq3A, %broadcast_in_dim3A_9, %broadcast_in_dim3A_10 : vector<128x128xi1>, vector<128x128xf32>
      %reduce_sum3A = arith.constant dense<0.000000e+00> : vector<128xf32>
      %reduce_sum3A_11 = vector.multi_reduction <add>, %select_n3A, %reduce_sum3A [1] : vector<128x128xf32> to vector<128xf32>
      %broadcast_in_dim3A_12 = vector.shape_cast %reduce_sum3A_11 : vector<128xf32> to vector<128x1xf32>
      %mul3A = arith.constant 128 : i32
      %mul3A_13 = arith.muli %arg0, %mul3A : i32
      %iota3A_14 = tpu.iota {dimensions = array<i32: 0>} : vector<128x1xi32>
      %add3A = vector.broadcast %mul3A_13 : i32 to vector<128x1xi32>
      %add3A_15 = arith.addi %add3A, %iota3A_14 : vector<128x1xi32>
      %broadcast_in_dim3A_16 = arith.constant 1.280000e+02 : f32
      %broadcast_in_dim3A_17 = vector.broadcast %broadcast_in_dim3A_16 : f32 to vector<128x1xf32>
      %get3A_18 = arith.index_cast %arg0 : i32 to index
      %get3A_19 = memref.load %arg2[%get3A_18] : memref<80xi32, #tpu.memory_space<smem>>
      %convert_element_type3A_20 = arith.sitofp %get3A_19 : i32 to f32
      %mul3A_21 = vector.broadcast %convert_element_type3A_20 : f32 to vector<128x1xf32>
      %mul3A_22 = arith.mulf %broadcast_in_dim3A_17, %mul3A_21 : vector<128x1xf32>
      %get3A_23 = arith.index_cast %arg0 : i32 to index
      %get3A_24 = memref.load %arg2[%get3A_23] : memref<80xi32, #tpu.memory_space<smem>>
      %get3A_25 = arith.index_cast %arg0 : i32 to index
      %get3A_26 = memref.load %arg3[%get3A_25] : memref<80xi32, #tpu.memory_space<smem>>
      %while3A = arith.subi %get3A_26, %get3A_24 : i32
      %while3A_27 = arith.addi %get3A_24, %while3A : i32
      %while3A_28 = arith.constant 1 : i32
      %while3A_29 = arith.divsi %while3A, %while3A_28 : i32
      %while3A_30 = arith.muli %while3A_29, %while3A_28 : i32
      %while3A_31 = arith.addi %get3A_24, %while3A_30 : i32
      %while3A_32 = arith.constant 1 : i32
      %while3A_33 = scf.for %while3A_47 = %get3A_24 to %while3A_31 step %while3A_32 iter_args(%while3A_48 = %mul3A_22) -> (vector<128x1xf32>)  : i32 {
        %get3A_49 = arith.index_cast %while3A_47 : i32 to index
        %get3A_50 = arith.constant 0 : index
        %get3A_51 = vector.load %arg1[%get3A_49, %get3A_50] : memref<80x128xf32, #tpu.memory_space<vmem>>, vector<1x128xf32>
        %mul3A_52 = arith.constant 128 : i32
        %mul3A_53 = arith.muli %while3A_47, %mul3A_52 : i32
        %iota3A_54 = tpu.iota {dimensions = array<i32: 1>} : vector<1x128xi32>
        %add3A_55 = vector.broadcast %mul3A_53 : i32 to vector<1x128xi32>
        %add3A_56 = arith.addi %add3A_55, %iota3A_54 : vector<1x128xi32>
        %lt3A_57 = vector.broadcast %get3A_51 : vector<1x128xf32> to vector<128x128xf32>
        %lt3A_58 = vector.broadcast %broadcast_in_dim3A_12 : vector<128x1xf32> to vector<128x128xf32>
        %lt3A_59 = arith.cmpf olt, %lt3A_57, %lt3A_58 : vector<128x128xf32>
        %eq3A_60 = vector.broadcast %get3A_51 : vector<1x128xf32> to vector<128x128xf32>
        %eq3A_61 = vector.broadcast %broadcast_in_dim3A_12 : vector<128x1xf32> to vector<128x128xf32>
        %eq3A_62 = arith.cmpf oeq, %eq3A_60, %eq3A_61 : vector<128x128xf32>
        %lt3A_63 = vector.broadcast %add3A_56 : vector<1x128xi32> to vector<128x128xi32>
        %lt3A_64 = vector.broadcast %add3A_15 : vector<128x1xi32> to vector<128x128xi32>
        %lt3A_65 = arith.cmpi slt, %lt3A_63, %lt3A_64 : vector<128x128xi32>
        %and3A = arith.andi %eq3A_62, %lt3A_65 : vector<128x128xi1>
        %or3A = arith.ori %lt3A_59, %and3A : vector<128x128xi1>
        %jit3A_66 = arith.constant 1.000000e+00 : f32
        %jit3A_67 = arith.constant 0.000000e+00 : f32
        %broadcast_in_dim3A_68 = vector.broadcast %jit3A_66 : f32 to vector<128x128xf32>
        %broadcast_in_dim3A_69 = vector.broadcast %jit3A_67 : f32 to vector<128x128xf32>
        %select_n3A_70 = arith.select %or3A, %broadcast_in_dim3A_68, %broadcast_in_dim3A_69 : vector<128x128xi1>, vector<128x128xf32>
        %reduce_sum3A_71 = arith.constant dense<0.000000e+00> : vector<128xf32>
        %reduce_sum3A_72 = vector.multi_reduction <add>, %select_n3A_70, %reduce_sum3A_71 [1] : vector<128x128xf32> to vector<128xf32>
        %broadcast_in_dim3A_73 = vector.shape_cast %reduce_sum3A_72 : vector<128xf32> to vector<128x1xf32>
        %add3A_74 = arith.addf %while3A_48, %broadcast_in_dim3A_73 : vector<128x1xf32>
        scf.yield %add3A_74 : vector<128x1xf32>
      }
      %while3A_34 = arith.constant 1 : i32
      %while3A_35 = scf.for %while3A_47 = %while3A_31 to %while3A_27 step %while3A_34 iter_args(%while3A_48 = %while3A_33) -> (vector<128x1xf32>)  : i32 {
        %get3A_49 = arith.index_cast %while3A_47 : i32 to index
        %get3A_50 = arith.constant 0 : index
        %get3A_51 = vector.load %arg1[%get3A_49, %get3A_50] : memref<80x128xf32, #tpu.memory_space<vmem>>, vector<1x128xf32>
        %mul3A_52 = arith.constant 128 : i32
        %mul3A_53 = arith.muli %while3A_47, %mul3A_52 : i32
        %iota3A_54 = tpu.iota {dimensions = array<i32: 1>} : vector<1x128xi32>
        %add3A_55 = vector.broadcast %mul3A_53 : i32 to vector<1x128xi32>
        %add3A_56 = arith.addi %add3A_55, %iota3A_54 : vector<1x128xi32>
        %lt3A_57 = vector.broadcast %get3A_51 : vector<1x128xf32> to vector<128x128xf32>
        %lt3A_58 = vector.broadcast %broadcast_in_dim3A_12 : vector<128x1xf32> to vector<128x128xf32>
        %lt3A_59 = arith.cmpf olt, %lt3A_57, %lt3A_58 : vector<128x128xf32>
        %eq3A_60 = vector.broadcast %get3A_51 : vector<1x128xf32> to vector<128x128xf32>
        %eq3A_61 = vector.broadcast %broadcast_in_dim3A_12 : vector<128x1xf32> to vector<128x128xf32>
        %eq3A_62 = arith.cmpf oeq, %eq3A_60, %eq3A_61 : vector<128x128xf32>
        %lt3A_63 = vector.broadcast %add3A_56 : vector<1x128xi32> to vector<128x128xi32>
        %lt3A_64 = vector.broadcast %add3A_15 : vector<128x1xi32> to vector<128x128xi32>
        %lt3A_65 = arith.cmpi slt, %lt3A_63, %lt3A_64 : vector<128x128xi32>
        %and3A = arith.andi %eq3A_62, %lt3A_65 : vector<128x128xi1>
        %or3A = arith.ori %lt3A_59, %and3A : vector<128x128xi1>
        %jit3A_66 = arith.constant 1.000000e+00 : f32
        %jit3A_67 = arith.constant 0.000000e+00 : f32
        %broadcast_in_dim3A_68 = vector.broadcast %jit3A_66 : f32 to vector<128x128xf32>
        %broadcast_in_dim3A_69 = vector.broadcast %jit3A_67 : f32 to vector<128x128xf32>
        %select_n3A_70 = arith.select %or3A, %broadcast_in_dim3A_68, %broadcast_in_dim3A_69 : vector<128x128xi1>, vector<128x128xf32>
        %reduce_sum3A_71 = arith.constant dense<0.000000e+00> : vector<128xf32>
        %reduce_sum3A_72 = vector.multi_reduction <add>, %select_n3A_70, %reduce_sum3A_71 [1] : vector<128x128xf32> to vector<128xf32>
        %broadcast_in_dim3A_73 = vector.shape_cast %reduce_sum3A_72 : vector<128xf32> to vector<128x1xf32>
        %add3A_74 = arith.addf %while3A_48, %broadcast_in_dim3A_73 : vector<128x1xf32>
        scf.yield %add3A_74 : vector<128x1xf32>
      }
      %jit3A_36 = arith.constant 0.000000e+00 : f32
      %broadcast_in_dim3A_37 = vector.shape_cast %while3A_35 : vector<128x1xf32> to vector<128x1xf32>
      %broadcast_in_dim3A_38 = vector.broadcast %broadcast_in_dim3A_37 : vector<128x1xf32> to vector<128x128xf32>
      %broadcast_in_dim3A_39 = vector.broadcast %jit3A_36 : f32 to vector<128x128xf32>
      %select_n3A_40 = arith.select %eq3A, %broadcast_in_dim3A_38, %broadcast_in_dim3A_39 : vector<128x128xi1>, vector<128x128xf32>
      %reduce_sum3A_41 = arith.constant dense<0.000000e+00> : vector<128xf32>
      %reduce_sum3A_42 = vector.multi_reduction <add>, %select_n3A_40, %reduce_sum3A_41 [0] : vector<128x128xf32> to vector<128xf32>
      %broadcast_in_dim3A_43 = vector.shape_cast %reduce_sum3A_42 : vector<128xf32> to vector<1x128xf32>
      %convert_element_type3A_44 = arith.fptosi %broadcast_in_dim3A_43 : vector<1x128xf32> to vector<1x128xi32>
      %swap3A = arith.index_cast %arg0 : i32 to index
      %swap3A_45 = arith.constant 0 : index
      %swap3A_46 = vector.load %arg7[%swap3A, %swap3A_45] : memref<80x128xi32, #tpu.memory_space<vmem>>, vector<1x128xi32>
      tpu.vector_store %arg7[%swap3A, %swap3A_45], %convert_element_type3A_44 {strides = array<i32>} : memref<80x128xi32, #tpu.memory_space<vmem>>, vector<1x128xi32>,
    } else {
    }
    %ge3A = arith.constant 80 : i32
    %ge3A_3 = arith.cmpi sge, %arg0, %ge3A : i32
    %convert_element_type3A_4 = arith.extui %ge3A_3 : i1 to i32
    %cond3A_5 = arith.constant 0 : i32
    %cond3A_6 = arith.cmpi ne, %convert_element_type3A_4, %cond3A_5 : i32
    scf.if %cond3A_6 {
      %sub3A = arith.constant 80 : i32
      %sub3A_7 = arith.subi %arg0, %sub3A : i32
      %mul3A = arith.constant 128 : i32
      %mul3A_8 = arith.muli %sub3A_7, %mul3A : i32
      %iota3A_9 = tpu.iota {dimensions = array<i32: 1>} : vector<1x128xi32>
      %add3A = vector.broadcast %mul3A_8 : i32 to vector<1x128xi32>
      %add3A_10 = arith.addi %add3A, %iota3A_9 : vector<1x128xi32>
      %get3A = arith.index_cast %sub3A_7 : i32 to index
      %get3A_11 = memref.load %arg4[%get3A] : memref<80xi32, #tpu.memory_space<smem>>
      %get3A_12 = arith.index_cast %sub3A_7 : i32 to index
      %get3A_13 = memref.load %arg5[%get3A_12] : memref<80xi32, #tpu.memory_space<smem>>
      %broadcast_in_dim3A = arith.constant 0 : i32
      %broadcast_in_dim3A_14 = vector.broadcast %broadcast_in_dim3A : i32 to vector<1x128xi32>
      %while3A = arith.subi %get3A_13, %get3A_11 : i32
      %while3A_15 = arith.addi %get3A_11, %while3A : i32
      %while3A_16 = arith.constant 1 : i32
      %while3A_17 = arith.divsi %while3A, %while3A_16 : i32
      %while3A_18 = arith.muli %while3A_17, %while3A_16 : i32
      %while3A_19 = arith.addi %get3A_11, %while3A_18 : i32
      %while3A_20 = arith.constant 1 : i32
      %while3A_21 = scf.for %while3A_27 = %get3A_11 to %while3A_19 step %while3A_20 iter_args(%while3A_28 = %broadcast_in_dim3A_14) -> (vector<1x128xi32>)  : i32 {
        %get3A_29 = arith.index_cast %while3A_27 : i32 to index
        %get3A_30 = arith.constant 0 : index
        %get3A_31 = vector.load %arg7[%get3A_29, %get3A_30] : memref<80x128xi32, #tpu.memory_space<vmem>>, vector<1x128xi32>
        %jit3A = arith.constant 0 : i32
        %broadcast_in_dim3A_32 = vector.shape_cast %get3A_31 : vector<1x128xi32> to vector<1x128xi32>
        %broadcast_in_dim3A_33 = vector.broadcast %broadcast_in_dim3A_32 : vector<1x128xi32> to vector<128x128xi32>
        %broadcast_in_dim3A_34 = vector.broadcast %jit3A : i32 to vector<128x128xi32>
        %select_n3A = arith.select %eq3A, %broadcast_in_dim3A_33, %broadcast_in_dim3A_34 : vector<128x128xi1>, vector<128x128xi32>
        %reduce_sum3A = arith.constant dense<0> : vector<128xi32>
        %reduce_sum3A_35 = vector.multi_reduction <add>, %select_n3A, %reduce_sum3A [1] : vector<128x128xi32> to vector<128xi32>
        %broadcast_in_dim3A_36 = vector.shape_cast %reduce_sum3A_35 : vector<128xi32> to vector<128x1xi32>
        %mul3A_37 = arith.constant 128 : i32
        %mul3A_38 = arith.muli %while3A_27, %mul3A_37 : i32
        %iota3A_39 = tpu.iota {dimensions = array<i32: 0>} : vector<128x1xi32>
        %add3A_40 = vector.broadcast %mul3A_38 : i32 to vector<128x1xi32>
        %add3A_41 = arith.addi %add3A_40, %iota3A_39 : vector<128x1xi32>
        %eq3A_42 = vector.broadcast %broadcast_in_dim3A_36 : vector<128x1xi32> to vector<128x128xi32>
        %eq3A_43 = vector.broadcast %add3A_10 : vector<1x128xi32> to vector<128x128xi32>
        %eq3A_44 = arith.cmpi eq, %eq3A_42, %eq3A_43 : vector<128x128xi32>
        %jit3A_45 = arith.constant 0 : i32
        %broadcast_in_dim3A_46 = vector.shape_cast %add3A_41 : vector<128x1xi32> to vector<128x1xi32>
        %broadcast_in_dim3A_47 = vector.broadcast %broadcast_in_dim3A_46 : vector<128x1xi32> to vector<128x128xi32>
        %broadcast_in_dim3A_48 = vector.broadcast %jit3A_45 : i32 to vector<128x128xi32>
        %select_n3A_49 = arith.select %eq3A_44, %broadcast_in_dim3A_47, %broadcast_in_dim3A_48 : vector<128x128xi1>, vector<128x128xi32>
        %reduce_sum3A_50 = arith.constant dense<0> : vector<128xi32>
        %reduce_sum3A_51 = vector.multi_reduction <add>, %select_n3A_49, %reduce_sum3A_50 [0] : vector<128x128xi32> to vector<128xi32>
        %broadcast_in_dim3A_52 = vector.shape_cast %reduce_sum3A_51 : vector<128xi32> to vector<1x128xi32>
        %add3A_53 = arith.addi %while3A_28, %broadcast_in_dim3A_52 : vector<1x128xi32>
        scf.yield %add3A_53 : vector<1x128xi32>
      }
      %while3A_22 = arith.constant 1 : i32
      %while3A_23 = scf.for %while3A_27 = %while3A_19 to %while3A_15 step %while3A_22 iter_args(%while3A_28 = %while3A_21) -> (vector<1x128xi32>)  : i32 {
        %get3A_29 = arith.index_cast %while3A_27 : i32 to index
        %get3A_30 = arith.constant 0 : index
        %get3A_31 = vector.load %arg7[%get3A_29, %get3A_30] : memref<80x128xi32, #tpu.memory_space<vmem>>, vector<1x128xi32>
        %jit3A = arith.constant 0 : i32
        %broadcast_in_dim3A_32 = vector.shape_cast %get3A_31 : vector<1x128xi32> to vector<1x128xi32>
        %broadcast_in_dim3A_33 = vector.broadcast %broadcast_in_dim3A_32 : vector<1x128xi32> to vector<128x128xi32>
        %broadcast_in_dim3A_34 = vector.broadcast %jit3A : i32 to vector<128x128xi32>
        %select_n3A = arith.select %eq3A, %broadcast_in_dim3A_33, %broadcast_in_dim3A_34 : vector<128x128xi1>, vector<128x128xi32>
        %reduce_sum3A = arith.constant dense<0> : vector<128xi32>
        %reduce_sum3A_35 = vector.multi_reduction <add>, %select_n3A, %reduce_sum3A [1] : vector<128x128xi32> to vector<128xi32>
        %broadcast_in_dim3A_36 = vector.shape_cast %reduce_sum3A_35 : vector<128xi32> to vector<128x1xi32>
        %mul3A_37 = arith.constant 128 : i32
        %mul3A_38 = arith.muli %while3A_27, %mul3A_37 : i32
        %iota3A_39 = tpu.iota {dimensions = array<i32: 0>} : vector<128x1xi32>
        %add3A_40 = vector.broadcast %mul3A_38 : i32 to vector<128x1xi32>
        %add3A_41 = arith.addi %add3A_40, %iota3A_39 : vector<128x1xi32>
        %eq3A_42 = vector.broadcast %broadcast_in_dim3A_36 : vector<128x1xi32> to vector<128x128xi32>
        %eq3A_43 = vector.broadcast %add3A_10 : vector<1x128xi32> to vector<128x128xi32>
        %eq3A_44 = arith.cmpi eq, %eq3A_42, %eq3A_43 : vector<128x128xi32>
        %jit3A_45 = arith.constant 0 : i32
        %broadcast_in_dim3A_46 = vector.shape_cast %add3A_41 : vector<128x1xi32> to vector<128x1xi32>
        %broadcast_in_dim3A_47 = vector.broadcast %broadcast_in_dim3A_46 : vector<128x1xi32> to vector<128x128xi32>
        %broadcast_in_dim3A_48 = vector.broadcast %jit3A_45 : i32 to vector<128x128xi32>
        %select_n3A_49 = arith.select %eq3A_44, %broadcast_in_dim3A_47, %broadcast_in_dim3A_48 : vector<128x128xi1>, vector<128x128xi32>
        %reduce_sum3A_50 = arith.constant dense<0> : vector<128xi32>
        %reduce_sum3A_51 = vector.multi_reduction <add>, %select_n3A_49, %reduce_sum3A_50 [0] : vector<128x128xi32> to vector<128xi32>
        %broadcast_in_dim3A_52 = vector.shape_cast %reduce_sum3A_51 : vector<128xi32> to vector<1x128xi32>
        %add3A_53 = arith.addi %while3A_28, %broadcast_in_dim3A_52 : vector<1x128xi32>
        scf.yield %add3A_53 : vector<1x128xi32>
      }
      %reshape3A = vector.shape_cast %while3A_23 : vector<1x128xi32> to vector<1x1x128xi32>
      %swap3A = arith.constant 0 : index
      %swap3A_24 = arith.constant 0 : index
      %swap3A_25 = arith.constant 0 : index
      %swap3A_26 = vector.load %arg6[%swap3A, %swap3A_24, %swap3A_25] : memref<1x1x128xi32, #tpu.memory_space<vmem>>, vector<1x1x128xi32>
      tpu.vector_store %arg6[%swap3A, %swap3A_24, %swap3A_25], %reshape3A {strides = array<i32>} : memref<1x1x128xi32, #tpu.memory_space<vmem>>, vector<1x1x128xi32>,
    } else {
    }
    return
  }
  func.func @transform_0(%arg0: i32) -> (i32, i32) {
    %c0_i32 = arith.constant 0 : i32
    %c0_i32_0 = arith.constant 0 : i32
    %c0_i32_1 = arith.constant 0 : i32
    return %c0_i32, %c0_i32_0 : i32, i32
  }
  func.func @transform_1(%arg0: i32) -> i32 {
    %c0_i32 = arith.constant 0 : i32
    %c0_i32_0 = arith.constant 0 : i32
    return %c0_i32 : i32
  }
  func.func @transform_2(%arg0: i32) -> i32 {
    %c0_i32 = arith.constant 0 : i32
    %c0_i32_0 = arith.constant 0 : i32
    return %c0_i32 : i32
  }
  func.func @transform_3(%arg0: i32) -> i32 {
    %c0_i32 = arith.constant 0 : i32
    %c0_i32_0 = arith.constant 0 : i32
    return %c0_i32 : i32
  }
  func.func @transform_4(%arg0: i32) -> i32 {
    %c0_i32 = arith.constant 0 : i32
    %c0_i32_0 = arith.constant 0 : i32
    return %c0_i32 : i32
  }
  func.func @transform_5(%arg0: i32) -> (i32, i32, i32) {
    %sub3A = arith.constant 80 : i32
    %sub3A_0 = arith.subi %arg0, %sub3A : i32
    %max3A = arith.constant 0 : i32
    %max3A_1 = arith.maxsi %sub3A_0, %max3A : i32
    %c0_i32 = arith.constant 0 : i32
    %c0_i32_2 = arith.constant 0 : i32
    %c0_i32_3 = arith.constant 0 : i32
    return %max3A_1, %c0_i32, %c0_i32_2 : i32, i32, i32
  }
}

</mosaic_0001>

<sc_bundles>
// kernel: kernel.11.cloned.1.call-start
scs
__scs_entry_jumppad:
0x0: {  	(pc) =	sbr.rel $0x88, $3  }
0x1: {  	(tag) =	ssettag $0x0;
	lr =	simm.s32 $0x1  }
0x2: {  	[smem:$0x3F96] =	sst lr;
	_ =	strace $0xD0000000  }
0x3: {  	_ = 	snop  }
0x4: {  	_ = 	snop  }
0x5: {  	_ = 	snop  }
0x6: {  	_ = 	snop  }
0x7: {  	_ = 	snop  }
__scs_overlays_trampoline_lowered:
0x8: {  	[smem:$0x3FA5] =	sst s0  }
0x9: {  	[smem:$0x3FA6] =	sst s1  }
0xa: {  	[smem:$0x3FA7] =	sst s2  }
0xb: {  	[smem:$0x3FA8] =	sst s3  }
0xc: {  	[smem:$0x3FA9] =	sst s4  }
0xd: {  	[smem:$0x3FAA] =	sst s5  }
0xe: {  	[smem:$0x3FAB] =	sst s6  }
0xf: {  	[smem:$0x3FAC] =	sst s7  }
0x10: {  	[smem:$0x3FAD] =	sst s8  }
0x11: {  	[smem:$0x3FAE] =	sst s9;
	s0 =	simm.s32 @!p0 $0x0  }
0x12: {  	s1 =	sld [smem:$0x3F94];
	s0 =	simm.s32 @p0 $0x1  }
0x13: {  	[smem:$0x3FAF] =	sst s0;
	s0 =	simm.s32 @!p1 $0x0  }
0x14: {  	s2 =	sld [smem:$0x3F93];
	s0 =	simm.s32 @p1 $0x1  }
0x15: {  	[smem:$0x3FB0] =	sst s0;
	s0 =	simm.s32 @!p2 $0x0  }
0x16: {  	s3 =	sld [smem:$0x3FDB];
	s0 =	simm.s32 @p2 $0x1  }
0x17: {  	s4 =	simm.s32 $0x1BF5;
	[smem:$0x3FB2] =	sst s0  }
0x18: {  	s0 =	sld [smem:$0x3F95];
	_ =	swait.ge [sflag:s4], $0x0  }
0x19: {  	s7 =	sld [smem:$0x3F96]  }
0x1a: {  	s8 =	sadd.s32 $0xFFFFE003, lr  }
0x1b: {  	s9 =	sadd.s32 $0xFFFFFEF7, lr;
	s5 =	simm.s32 $0xFFFFFFFF;
	p2 =	slt.u32 s8, $0xFFFFF086  }
0x1c: {  	p1 =	slt.u32 s9, $0xF7A;
	s5 =	simm.s32 @!p2 $0x0  }
0x1d: {  	s5 =	simm.s32 @p1 $0x1;
	p0 =	seq.s32 s7, s2  }
0x1e: {  	s7 =	smul.u32 @!p0 $0xF7A, s2;
	p2 =	seq.s32 @!p0 s5, $0x0  }
0x1f: {  	s9 =	smul.u32 $0xF7A, s1;
	s8 =	simm.s32 @!p0 $0x1BF5;
	p2 =	por !p2, p0  }
0x20: {  	[sflag:s8] =	ssyncset.s32 @!p0 $0xFFFFF086;
	s6 =	sadd.s32 @!p0 s3, s7;
	s7 =	simm.s32 @!p0 $0x108  }
0x21: {  	s3 =	sadd.s32 s3, s9;
	s6 =	sadd.s32 @!p0 $0x88, s6;
	s7 =	simm.s32 @p2 $0x1082  }
0x22: {  	[simem:s7], [sflag:s8] =	dma.local @!p0 [hbm:s6], $0xF7A  }
0x23: {  	s9 =	sor.u32 $0xD0000000, s2;
	s6 =	simm.s32 $0x108;
	_ =	swait.ge @!p0 [sflag:s8], $0x0  }
0x24: {  	s3 =	sadd.s32 $0x88, s3;
	s6 =	simm.s32 @!p1 $0x1082;
	[sflag:s4] =	ssyncset.s32 $0xFFFFF086  }
0x25: {  	[simem:s6], [sflag:s4] =	dma.local [hbm:s3], $0xF7A  }
0x26: {  	[smem:$0x3F96] =	sst s1;
	(tag) =	ssettag s2;
	_ =	strace s9  }
0x27: {  	s1 =	sld [smem:$0x3FA6]  }
0x28: {  	s2 =	sld [smem:$0x3FA7]  }
0x29: {  	s4 =	sld [smem:$0x3FA9]  }
0x2a: {  	p0 =	seq.s32 s5, $0x0;
	s5 =	sld [smem:$0x3FAA]  }
0x2b: {  	s6 =	sld [smem:$0x3FAB]  }
0x2c: {  	s7 =	sld [smem:$0x3FAC]  }
0x2d: {  	s3 =	simm.s32 $0x108;
	s8 =	sld [smem:$0x3FAD]  }
0x2e: {  	s3 =	simm.s32 @!p0 $0x1082;
	s9 =	sld [smem:$0x3FAE]  }
0x2f: {  	lr =	sadd.s32 s0, s3;
	s0 =	sld [smem:$0x3FA5]  }
0x30: {  	s3 =	sld [smem:$0x3FA8]  }
0x31: {  	[smem:$0x3FB1] =	sst s10  }
0x32: {  	s10 =	sld [smem:$0x3FAF];
	_ =	sdelay $0x3  }
0x33: {  	p0 =	seq.s32 s10, $0x1;
	s10 =	sld [smem:$0x3FB1];
	_ =	sdelay $0x3  }
0x34: {  	[smem:$0x3FB1] =	sst s10  }
0x35: {  	s10 =	sld [smem:$0x3FB0];
	_ =	sdelay $0x3  }
0x36: {  	p1 =	seq.s32 s10, $0x1;
	s10 =	sld [smem:$0x3FB1];
	_ =	sdelay $0x3  }
0x37: {  	[smem:$0x3FB1] =	sst s10  }
0x38: {  	s10 =	sld [smem:$0x3FB2]  }
0x39: {  	_ = 	snop;
	(pc) =	sbr.ind lr, $3  }
0x3a: {  	_ = 	snop  }
0x3b: {  	_ = 	snop  }
0x3c: {  	p2 =	seq.s32 s10, $0x1;
	s10 =	sld [smem:$0x3FB1]  }
0x3d: {  	_ =	shalt  }
0x3e: {  	_ =	shalt  }
0x3f: {  	_ =	shalt  }
0x40: {  	_ =	shalt  }
0x41: {  	_ =	shalt  }
0x42: {  	_ =	shalt  }
0x43: {  	_ =	shalt  }
0x44: {  	_ =	shalt  }
0x45: {  	_ =	shalt  }
0x46: {  	_ =	shalt  }
0x47: {  	_ =	shalt  }
0x48: {  	_ =	shalt  }
0x49: {  	_ =	shalt  }
0x4a: {  	_ =	shalt  }
0x4b: {  	_ =	shalt  }
0x4c: {  	_ =	shalt  }
0x4d: {  	_ =	shalt  }
0x4e: {  	_ =	shalt  }
0x4f: {  	_ =	shalt  }
0x50: {  	_ =	shalt  }
0x51: {  	_ =	shalt  }
0x52: {  	_ =	shalt  }
0x53: {  	_ =	shalt  }
0x54: {  	_ =	shalt  }
0x55: {  	_ =	shalt  }
0x56: {  	_ =	shalt  }
0x57: {  	_ =	shalt  }
0x58: {  	_ =	shalt  }
0x59: {  	_ =	shalt  }
0x5a: {  	_ =	shalt  }
0x5b: {  	_ =	shalt  }
0x5c: {  	_ =	shalt  }
0x5d: {  	_ =	shalt  }
0x5e: {  	_ =	shalt  }
0x5f: {  	_ =	shalt  }
0x60: {  	_ =	shalt  }
0x61: {  	_ =	shalt  }
0x62: {  	_ =	shalt  }
0x63: {  	_ =	shalt  }
0x64: {  	_ =	shalt  }
0x65: {  	_ =	shalt  }
0x66: {  	_ =	shalt  }
0x67: {  	_ =	shalt  }
0x68: {  	_ =	shalt  }
0x69: {  	_ =	shalt  }
0x6a: {  	_ =	shalt  }
0x6b: {  	_ =	shalt  }
0x6c: {  	_ =	shalt  }
0x6d: {  	_ =	shalt  }
0x6e: {  	_ =	shalt  }
0x6f: {  	_ =	shalt  }
0x70: {  	_ =	shalt  }
0x71: {  	_ =	shalt  }
0x72: {  	_ =	shalt  }
0x73: {  	_ =	shalt  }
0x74: {  	_ =	shalt  }
0x75: {  	_ =	shalt  }
0x76: {  	_ =	shalt  }
0x77: {  	_ =	shalt  }
0x78: {  	_ =	shalt  }
0x79: {  	_ =	shalt  }
0x7a: {  	_ =	shalt  }
0x7b: {  	_ =	shalt  }
0x7c: {  	_ =	shalt  }
0x7d: {  	_ =	shalt  }
0x7e: {  	_ =	shalt  }
0x7f: {  	_ =	shalt  }
0x80: {  	_ =	shalt  }
0x81: {  	_ =	shalt  }
0x82: {  	_ =	shalt  }
0x83: {  	_ =	shalt  }
0x84: {  	_ =	shalt  }
0x85: {  	_ =	shalt  }
0x86: {  	_ =	shalt  }
0x87: {  	_ =	shalt  }
.Lfunc_end0:
.L_simem_size_0:
called_computation.1_lowered:
.L_overlay_start_0:
0x88: {  	s2 =	sld [smem:$0x3FD9]  }
0x89: {  	s3 =	sld [smem:$0x3FFE];
	_ =	sdelay $0x1  }
0x8a: {  	s1 =	srdreg.scid  }
0x8b: {  	s0 =	sand.u32 $0x1, s1  }
0x8c: {  	s16 =	sshll.u32 s0, $0xA;
	s2 =	sadd.s32 s3, s2  }
0x8d: {  	s2 =	sadd.s32 s2, s16  }
0x8e: {  	[smem:$0x3FBD] =	sst s2  }
0x8f: {  	_ = 	snop  }
0x90: {  	(tm) =	ssettm $0x1  }
0x91: {  	s17 =	sld [smem:$0x3FFB];
	_ =	sdelay $0x3  }
0x92: {  	_ =	strace s17  }
0x93: {  	s2 =	sld [smem:$0x3FFC];
	_ =	sdelay $0x3  }
0x94: {  	_ =	strace s2  }
0x95: {  	s2 =	sld [smem:$0x3FFD];
	_ =	sdelay $0x3  }
0x96: {  	_ =	strace s2  }
0x97: {  	_ =	strace $0x8FFFFFFF  }
0x98: {  	s18 =	sld [smem:$0x3FDB];
	_ =	sdelay $0x1  }
0x99: {  	s19 =	simm.s32 $_scs_section_size  }
0x9a: {  	s4 =	simm.s32 $_size__tile_overlayer_lowered;
	s5 =	simm.s32 $_tile_overlayer_lowered  }
0x9b: {  	s22 =	simm.s32 $0x1BFF;
	s21 =	sshll.u32 s5, $0x1;
	s2 =	sadd.s32 s19, s18  }
0x9c: {  	s6 =	simm.s32 $0x0;
	s20 =	sshll.u32 s4, $0x1;
	s4 =	sadd.s32 s21, s2  }
0x9d: {  	[timem:s6], [sflag:s22] =	dma.local [hbm:s4], s20  }
0x9e: {  	_ =	swait.ge [sflag:s22], s20  }
0x9f: {  	s3 =	ssub.s32 $0x0, s20;
	[sflag:s22] =	ssyncset.done $0x0  }
0xa0: {  	[sflag:s22] =	ssyncadd.s32 s3;
	_ =	sdelay $0x1  }
0xa1: {  	s23 =	simm.s32 $0x1B8B  }
0xa2: {  	_ =	swait.ge [sflag:s23], $0x1  }
0xa3: {  	[sflag:s23] =	ssyncset.done $0x0  }
0xa4: {  	s25 =	simm.s32 $0x1B8E;
	s24 =	sld [smem:$0x3FFE];
	[sflag:s23] =	ssyncadd.s32 $0xFFFFFFFF  }
0xa5: {  	s26 =	simm.s32 $execute0_lowered;
	[smem:$0x3FD2] =	sst s25  }
0xa6: {  	s4 =	sshll.u32 s26, $0x1;
	_ =	strace $0x80000049;
	[dreg:$0x1] =	wrdreg $0xFFFFFFFF  }
0xa7: {  	s28 =	simm.s32 $_size_execute0_lowered;
	s2 =	sadd.s32 s2, s4;
	[dreg:$0x0] =	wrdreg $0x0  }
0xa8: {  	s4 =	sshll.u32 s28, $0x1;
	[dreg:$0x2] =	wrdreg s2  }
0xa9: {  	[dreg:$0x3] =	wrdreg s4  }
0xaa: {  	[dreg:$0x4] =	wrdreg $0xC0  }
0xab: {  	_ =	task [dreg:s6], $0x5FFFF  }
0xac: {  	[dreg:$0x1] =	wrdreg $0xFFFFFFFF  }
0xad: {  	[dreg:$0x0] =	wrdreg $0x60  }
0xae: {  	[dreg:$0x2] =	wrdreg s24  }
0xaf: {  	[dreg:$0x3] =	wrdreg $0x23000  }
0xb0: {  	[dreg:$0x4] =	wrdreg $0x9  }
0xb1: {  	_ =	task.clear_ibuf [dreg:s6], $0x5FFFF;
	_ =	strace $0x90000049  }
0xb2: {  	s29 =	simm.s32 $0x9;
	_ =	strace $0x8000004B  }
0xb3: {  	_ =	swait.ge [sflag:s29], $0x1  }
0xb4: {  	[sflag:s29] =	ssyncadd.s32 $0xFFFFFFFF  }
0xb5: {  	_ =	strace $0x9000004B  }
0xb6: {  	_ =	sfence  }
0xb7: {  	s30 =	sld [smem:$0x0];
	_ =	sdelay $0x2  }
0xb8: {  	s31 =	sshll.u32 s1, $0xD;
	s1 =	sshrl.u32 s1, $0x2  }
0xb9: {  	s3 =	sand.u32 $0x4000, s31;
	s1 =	sadd.s32 s1, s30  }
0xba: {  	s0 =	sor.u32 s3, s0;
	s1 =	sshll.u32 s1, $0x11  }
0xbb: {  	s0 =	sor.u32 s1, s0  }
0xbc: {  	s0 =	sadd.s32 $0x8F2B, s0  }
0xbd: {  	[sflag:s0] =	ssyncadd.remote.s32 $0x1  }
0xbe: {  	_ =	sfence.sel $0xFFFF  }
0xbf: {  	[dreg:$0x0] =	wrdreg $0xFFFFFFFF;
	(pc) =	sbr.abs _section_cstart, $3  }
0xc0: {  	[dreg:$0x1] =	wrdreg $0xFFFFFFFF  }
0xc1: {  	_ =	task.clear_ibuf [dreg:s6], $0x2FFFF;
	_ =	strace $0x9FFFFFFF  }
0xc2: {  	(tm) =	ssettm $0x7FFFFFFF  }
0xc3: {  	_ =	shalt  }
tec
execute0_lowered:
.L_overlay_start_1:
0x0: {  	(tag) =	ssettag $0x1  }
0x1: {  	s0 =	rddreg [dreg:$0x0]  }
0x2: {  	s2 =	rddreg [dreg:$0x1]  }
0x3: {  	s1 =	stileid.u32;
	s4 =	srdreg.scid  }
0x4: {  	s3 =	simm.s32 $0x0;
	s14 =	simm.s32 $0x4;
	s16 =	simm.s32 $0x2  }
0x5: {  	s17 =	simm.s32 $0x80;
	s18 =	simm.s32 $0x3;
	s5 =	smul.u32 $0x5000, s1  }
0x6: {  	s19 =	simm.s32 $0x0;
	s6 =	sand.u32 $0x1, s4;
	s9 =	smul.u32 $0x3B, s1  }
0x7: {  	[smem:$0x7FF] =	sst s3;
	s4 =	sadd.s32 $0x13C00, s0;
	s11 =	smul.u32 $0x63, s1  }
0x8: {  	s28 =	sshll.u32 s1, $0x6;
	s7 =	smul.u32 $0x50000, s6;
	_ =	strace $0x8000004A  }
0x9: {  	s25 =	ssub.s32 $0x2, s6;
	p0 =	seq.s32 s6, $0x0;
	s8 =	sshrl.u32 s5, $0x3  }
0xa: {  	s12 =	sshrl.u32 s25, $0x1;
	s6 =	sadd.s32 $0x630, s9;
	s13 =	sadd.s32 s5, s2  }
0xb: {  	s7 =	sadd.s32 s5, s7;
	s8 =	sadd.s32 s8, s0;
	s12 =	ssub.s32 s25, s12  }
0xc: {  	s6 =	smov.u32 @p0 s11;
	s13 =	sshrl.u32 s13, $0x3;
	s7 =	sshrl.u32 s7, $0x3  }
0xd: {  	s26 =	sadd.s32 $0x1DC00, s8;
	s29 =	sshll.u32 s6, $0x5;
	s6 =	sor.u32 $0x1C04, s28  }
0xe: {  	s31 =	smax.u32 s12, $0x1;
	[dreg:$0x3] =	wrdreg s26;
	s8 =	sadd.s32 s0, s29  }
0xf: {  	s10 =	sadd.s32 s7, s0;
	[dreg:$0x6] =	wrdreg s31;
	s0 =	sadd.s32 $0x20, s8  }
0x10: {  	s7 =	simm.s32 $0x63;
	s30 =	sadd.s32 $0x27C00, s10;
	[dreg:$0x4] =	wrdreg s0  }
0x11: {  	s7 =	simm.s32 @!p0 $0x3B;
	s12 =	sadd.s32 $0x40, s8;
	[dreg:$0x5] =	wrdreg s30  }
.LBB2_1:
0x12: {  	s0 =	rddreg [dreg:$0x3];
	s15 =	simm.s32 $0x1;
	s1 =	simm.s32 $0x300  }
0x13: {  	s26 =	simm.s32 $0x100;
	s22 =	smulhi.u32 $0xAAAAAAAB, s3;
	s20 =	simm.s32 $0x1  }
0x14: {  	[spmem:s13], [sflag:s6] =	dma.local [hbm:s0], $0xA00  }
0x15: {  	p0 =	sne.s32 s7, $0x1;
	s21 =	simm.s32 $0x3;
	_ =	swait.ge [sflag:s14], $0xA00  }
0x16: {  	s23 =	sadd.s32 $0x20, s12;
	s29 =	smulhi.u32 $0xAAAAAAAB, s16;
	[sflag:s14] =	ssyncset.done $0x0  }
0x17: {  	s30 =	sand.u32 $0x4000, s3;
	p1 =	por $0x1, $0x1;
	[sflag:s14] =	ssyncadd.s32 $0xFFFFF600  }
0x18: {  	p2 =	sle.u32 s7, $0x2;
	s30 =	sshrl.u32 s30, $0x2;
	[bflag:$0x0] =	sbarrier.arrive $0xFFFF  }
0x19: {  	[tilespmem:s3], [sflag:$0x1] =	stream.linear.gather [hbm4b:s8+s3], $0x100, $0x38;
	[tilespmem:$0x7300] =	vst v63  }
0x1a: {  	s31 =	simm.s32 @!p1 $0x3;
	s0 =	smulhi.u32 $0xAAAAAAAB, s15;
	_ =	swait.ge [sflag:s15], $0x100  }
0x1b: {  	s24 =	sshrl.u32 s22, $0x1;
	s22 =	simm.s32 $0x180;
	[sflag:s15] =	ssyncset.done $0x0  }
0x1c: {  	s29 =	sshrl.u32 s29, $0x1;
	s30 =	sor.u32 $0x300, s30;
	[sflag:s15] =	ssyncadd.s32 $0xFFFFFF00  }
0x1d: {  	[tilespmem:s1], [sflag:$0x2] =	stream.indirect.gather [hbm4b:s4+s17], $0x20, s3, s17, $0xb8;
	[tilespmem:$0x7300] =	vst v63  }
0x1e: {  	s28 =	smul.u32 $0xFFFFF400, s24;
	s24 =	simm.s32 $0x300;
	s25 =	rddreg [dreg:$0x4]  }
0x1f: {  	[tilespmem:s26], [sflag:$0x1] =	stream.linear.gather [hbm4b:s25+s3], $0x100, $0x38;
	[tilespmem:$0x7300] =	vst v63  }
0x20: {  	s29 =	smul.u32 $0xFFFFF400, s29;
	s0 =	sshrl.u32 s0, $0x1;
	_ =	swait.ge [sflag:s16], $0x1000  }
0x21: {  	s0 =	smul.u32 $0xFFFFF400, s0;
	s28 =	sshra.s32 s28, $0x2;
	[sflag:s16] =	ssyncset.done $0x0  }
0x22: {  	s29 =	sshra.s32 s29, $0x2;
	s28 =	sadd.s32 $0x80, s28;
	[sflag:s16] =	ssyncadd.s32 $0xFFFFF000  }
0x23: {  	[spmem:s2] =	stream.indirect.scatter.add.f32 [tilespmem:s30], [sflag:$0x3], $0x20, s28, s17, $0xb8;
	[tilespmem:$0x7300] =	vst v63  }
.Ltmp0:
0x24: {  	s29 =	sadd.s32 $0x200, s29;
	_ =	swait.ge @!p1 [sflag:s31], $0x1000;
	(pc) =	sbr.rel @!p0 .LBB2_3-.Ltmp0, $4  }
0x25: {  	s25 =	simm.s32 $0x2;
	s28 =	simm.s32 $0x4000;
	[sflag:s31] =	ssyncset.done @!p1 $0x0  }
0x26: {  	s30 =	simm.s32 @!p2 $0x0;
	[sflag:s31] =	ssyncadd.s32 @!p1 $0xFFFFF000;
	p1 =	sle.u32 s7, $0x1  }
0x27: {  	[tilespmem:s29], [sflag:$0x1] =	stream.linear.gather @!p2 [hbm4b:s12+s30], $0x100, $0x38;
	[tilespmem:$0x7300] =	vst v63  }
0x28: {  	s29 =	simm.s32 $0x200;
	s31 =	simm.s32 @!p1 $0x1;
	s30 =	simm.s32 $0x0  }
.LBB2_2:
0x29: {  	s0 =	sshra.s32 s0, $0x2;
	_ =	swait.ge @!p1 [sflag:s31], $0x100;
	s1 =	smov.u32 s20  }
0x2a: {  	s20 =	sadd.s32 $0x1, s20;
	s15 =	smov.u32 s21;
	s5 =	smov.u32 s22  }
0x2b: {  	s0 =	sadd.s32 s0, s26;
	[sflag:s31] =	ssyncset.done @!p1 $0x0;
	s26 =	sxor.u32 @!p1 $0xFFFFFFFF, s30  }
0x2c: {  	p0 =	sne.s32 s20, s7;
	[sflag:s31] =	ssyncadd.s32 @!p1 $0xFFFFFF00;
	s26 =	sand.u32 @!p1 $0x4000, s26  }
0x2d: {  	s9 =	smov.u32 s23;
	s30 =	simm.s32 @!p1 $0x80;
	s26 =	sshrl.u32 @!p1 s26, $0x2  }
0x2e: {  	s10 =	smov.u32 s25;
	s31 =	smov.u32 s24;
	s26 =	sor.u32 @!p1 $0x300, s26  }
0x2f: {  	[tilespmem:s26], [sflag:$0x2] =	stream.indirect.gather @!p1 [hbm4b:s4+s30], $0x20, s0, s30, $0xb8;
	[tilespmem:$0x7300] =	vst v63  }
0x30: {  	s0 =	smulhi.u32 $0xAAAAAAAB, s1;
	s30 =	smov.u32 s28;
	s26 =	smov.u32 s29  }
0x31: {  	s21 =	sadd.s32 $0x1, s21;
	s22 =	sadd.s32 $0x100, s22  }
0x32: {  	s23 =	sadd.s32 $0x20, s23;
	s24 =	sadd.s32 $0x100, s24;
	s0 =	sshrl.u32 s0, $0x1  }
0x33: {  	s25 =	sadd.s32 $0x1, s25;
	s28 =	sadd.s32 $0x4000, s28;
	s0 =	smul.u32 $0xFFFFF400, s0  }
0x34: {  	s15 =	smulhi.u32 $0xAAAAAAAB, s15;
	s11 =	sand.u32 $0x4000, s30;
	_ =	swait.ge [sflag:s16], $0x1000  }
0x35: {  	s11 =	sshrl.u32 s11, $0x2;
	s0 =	sshra.s32 s0, $0x2;
	[sflag:s16] =	ssyncset.done $0x0  }
0x36: {  	s15 =	sshrl.u32 s15, $0x1;
	s0 =	sadd.s32 s0, s5;
	[sflag:s16] =	ssyncadd.s32 $0xFFFFF000  }
0x37: {  	p2 =	seq.s32 s30, $0x0;
	s11 =	sor.u32 $0x300, s11;
	s5 =	smul.u32 $0xFFFFF400, s15  }
0x38: {  	s10 =	smulhi.u32 $0xAAAAAAAB, s10;
	s1 =	sadd.s32 $0x2, s1;
	s15 =	simm.s32 @!p2 $0x3  }
0x39: {  	s29 =	sadd.s32 $0x100, s29;
	p3 =	sge.u32 s1, s7;
	s5 =	sshra.s32 s5, $0x2  }
0x3a: {  	[spmem:s2] =	stream.indirect.scatter.add.f32 [tilespmem:s11], [sflag:$0x3], $0x20, s0, s17, $0xb8;
	[tilespmem:$0x7300] =	vst v63  }
.Ltmp1:
0x3b: {  	_ = 	snop;
	(pc) =	sbr.rel @p0 .LBB2_2-.Ltmp1, $4  }
0x3c: {  	s1 =	sadd.s32 s5, s31;
	s5 =	simm.s32 @!p3 $0x0;
	_ =	swait.ge @!p2 [sflag:s15], $0x1000  }
0x3d: {  	p1 =	sge.u32 s20, s7;
	s0 =	sshrl.u32 s10, $0x1;
	[sflag:s15] =	ssyncset.done @!p2 $0x0  }
0x3e: {  	s31 =	simm.s32 @!p1 $0x1;
	s0 =	smul.u32 $0xFFFFF400, s0;
	[sflag:s15] =	ssyncadd.s32 @!p2 $0xFFFFF000  }
0x3f: {  	[tilespmem:s1], [sflag:$0x1] =	stream.linear.gather @!p3 [hbm4b:s9+s5], $0x100, $0x38;
	[tilespmem:$0x7300] =	vst v63  }
.LBB2_3:
0x40: {  	s1 =	sxor.u32 @!p1 $0xFFFFFFFF, s30  }
0x41: {  	s0 =	sshra.s32 s0, $0x2;
	_ =	swait.ge @!p1 [sflag:s31], $0x100;
	s1 =	sand.u32 @!p1 $0x4000, s1  }
0x42: {  	s5 =	simm.s32 @!p1 $0x80;
	[sflag:s31] =	ssyncset.done @!p1 $0x0;
	s1 =	sshrl.u32 @!p1 s1, $0x2  }
0x43: {  	s0 =	sadd.s32 s0, s26;
	[sflag:s31] =	ssyncadd.s32 @!p1 $0xFFFFFF00;
	s1 =	sor.u32 @!p1 $0x300, s1  }
0x44: {  	[tilespmem:s1], [sflag:$0x2] =	stream.indirect.gather @!p1 [hbm4b:s4+s5], $0x20, s0, s5, $0xb8;
	[tilespmem:$0x7300] =	vst v63  }
0x45: {  	_ =	swait.ge [sflag:s18], $0x1000  }
0x46: {  	[sflag:s18] =	ssyncset.done $0x0  }
0x47: {  	[sflag:s18] =	ssyncadd.s32 $0xFFFFF000  }
0x48: {  	[bflag:$0x0] =	sbarrier.arrive $0xFFFF  }
0x49: {  	s30 =	rddreg [dreg:$0x5]  }
0x4a: {  	[hbm:s30], [sflag:s6] =	dma.local [spmem:s13], $0xA00  }
0x4b: {  	_ =	swait.ge [sflag:s14], $0xA00  }
0x4c: {  	s19 =	sadd.s32 $0x1, s19;
	s31 =	rddreg [dreg:$0x6]  }
0x4d: {  	p0 =	sne.s32 s19, s31  }
.Ltmp2:
0x4e: {  	_ = 	snop;
	(pc) =	sbr.rel @p0 .LBB2_1-.Ltmp2, $3  }
0x4f: {  	_ =	sdelay $0x1  }
0x50: {  	[sflag:s14] =	ssyncset.done $0x0  }
0x51: {  	[sflag:s14] =	ssyncadd.s32 $0xFFFFF600  }
0x52: {  	_ =	sfence.sel $0x180000  }
0x53: {  	[bflag:$0x0] =	sbarrier.arrive $0xFFFF  }
0x54: {  	_ =	strace $0x9000004A  }
0x55: {  	s0 =	stileid.u32;
	[bflag:$0x2] =	sbarrier.arrive $0xFFFF  }
0x56: {  	p0 =	sne.s32 s0, $0x0;
	s0 =	rddreg [dreg:$0x2]  }
0x57: {  	s0 =	sadd.s32 @!p0 $0x100000, s0  }
0x58: {  	[sflag:s0] =	ssyncadd.tile.s32 @!p0 $0x1;
	_ =	shalt  }
.Lfunc_end2:
_tile_overlayer_lowered:
.L_overlay_start_2:
0x59: {  	(tag) =	ssettag $0x2  }
0x5a: {  	s0 =	rddreg [dreg:$0x0];
	s2 =	stileid.u32  }
0x5b: {  	s1 =	rddreg [dreg:$0x1];
	p0 =	sne.s32 s2, $0x0  }
0x5c: {  	s3 =	rddreg [dreg:$0x2];
	[bflag:$0x3] =	sbarrier.arrive $0xFFFF;
	s2 =	simm.s32 @!p0 $0x1C04  }
0x5d: {  	[timem:s3], [sflag:s2] =	dma.local @!p0 [hbm:s0], s1  }
0x5e: {  	s0 =	simm.s32 @!p0 $0x4  }
0x5f: {  	_ =	swait.ge @!p0 [sflag:s0], s1  }
0x60: {  	s1 =	ssub.s32 @!p0 $0x0, s1;
	[sflag:s0] =	ssyncset.done @!p0 $0x0  }
0x61: {  	[sflag:s0] =	ssyncadd.s32 @!p0 s1  }
0x62: {  	[bflag:$0x3] =	sbarrier.arrive $0xFFFF  }
0x63: {  	_ =	shalt  }

// kernel: kernel.8.cloned.1.call-start
scs
__scs_entry_jumppad:
0x0: {  	(pc) =	sbr.rel $0x88, $3  }
0x1: {  	(tag) =	ssettag $0x0;
	lr =	simm.s32 $0x1  }
0x2: {  	[smem:$0x3F96] =	sst lr;
	_ =	strace $0xD0000000  }
0x3: {  	_ = 	snop  }
0x4: {  	_ = 	snop  }
0x5: {  	_ = 	snop  }
0x6: {  	_ = 	snop  }
0x7: {  	_ = 	snop  }
__scs_overlays_trampoline_lowered:
0x8: {  	[smem:$0x3FA5] =	sst s0  }
0x9: {  	[smem:$0x3FA6] =	sst s1  }
0xa: {  	[smem:$0x3FA7] =	sst s2  }
0xb: {  	[smem:$0x3FA8] =	sst s3  }
0xc: {  	[smem:$0x3FA9] =	sst s4  }
0xd: {  	[smem:$0x3FAA] =	sst s5  }
0xe: {  	[smem:$0x3FAB] =	sst s6  }
0xf: {  	[smem:$0x3FAC] =	sst s7  }
0x10: {  	[smem:$0x3FAD] =	sst s8  }
0x11: {  	[smem:$0x3FAE] =	sst s9;
	s0 =	simm.s32 @!p0 $0x0  }
0x12: {  	s1 =	sld [smem:$0x3F94];
	s0 =	simm.s32 @p0 $0x1  }
0x13: {  	[smem:$0x3FAF] =	sst s0;
	s0 =	simm.s32 @!p1 $0x0  }
0x14: {  	s2 =	sld [smem:$0x3F93];
	s0 =	simm.s32 @p1 $0x1  }
0x15: {  	[smem:$0x3FB0] =	sst s0;
	s0 =	simm.s32 @!p2 $0x0  }
0x16: {  	s3 =	sld [smem:$0x3FDB];
	s0 =	simm.s32 @p2 $0x1  }
0x17: {  	s4 =	simm.s32 $0x1BF5;
	[smem:$0x3FB2] =	sst s0  }
0x18: {  	s0 =	sld [smem:$0x3F95];
	_ =	swait.ge [sflag:s4], $0x0  }
0x19: {  	s7 =	sld [smem:$0x3F96]  }
0x1a: {  	s8 =	sadd.s32 $0xFFFFE003, lr  }
0x1b: {  	s9 =	sadd.s32 $0xFFFFFEF7, lr;
	s5 =	simm.s32 $0xFFFFFFFF;
	p2 =	slt.u32 s8, $0xFFFFF086  }
0x1c: {  	p1 =	slt.u32 s9, $0xF7A;
	s5 =	simm.s32 @!p2 $0x0  }
0x1d: {  	s5 =	simm.s32 @p1 $0x1;
	p0 =	seq.s32 s7, s2  }
0x1e: {  	s7 =	smul.u32 @!p0 $0xF7A, s2;
	p2 =	seq.s32 @!p0 s5, $0x0  }
0x1f: {  	s9 =	smul.u32 $0xF7A, s1;
	s8 =	simm.s32 @!p0 $0x1BF5;
	p2 =	por !p2, p0  }
0x20: {  	[sflag:s8] =	ssyncset.s32 @!p0 $0xFFFFF086;
	s6 =	sadd.s32 @!p0 s3, s7;
	s7 =	simm.s32 @!p0 $0x108  }
0x21: {  	s3 =	sadd.s32 s3, s9;
	s6 =	sadd.s32 @!p0 $0x88, s6;
	s7 =	simm.s32 @p2 $0x1082  }
0x22: {  	[simem:s7], [sflag:s8] =	dma.local @!p0 [hbm:s6], $0xF7A  }
0x23: {  	s9 =	sor.u32 $0xD0000000, s2;
	s6 =	simm.s32 $0x108;
	_ =	swait.ge @!p0 [sflag:s8], $0x0  }
0x24: {  	s3 =	sadd.s32 $0x88, s3;
	s6 =	simm.s32 @!p1 $0x1082;
	[sflag:s4] =	ssyncset.s32 $0xFFFFF086  }
0x25: {  	[simem:s6], [sflag:s4] =	dma.local [hbm:s3], $0xF7A  }
0x26: {  	[smem:$0x3F96] =	sst s1;
	(tag) =	ssettag s2;
	_ =	strace s9  }
0x27: {  	s1 =	sld [smem:$0x3FA6]  }
0x28: {  	s2 =	sld [smem:$0x3FA7]  }
0x29: {  	s4 =	sld [smem:$0x3FA9]  }
0x2a: {  	p0 =	seq.s32 s5, $0x0;
	s5 =	sld [smem:$0x3FAA]  }
0x2b: {  	s6 =	sld [smem:$0x3FAB]  }
0x2c: {  	s7 =	sld [smem:$0x3FAC]  }
0x2d: {  	s3 =	simm.s32 $0x108;
	s8 =	sld [smem:$0x3FAD]  }
0x2e: {  	s3 =	simm.s32 @!p0 $0x1082;
	s9 =	sld [smem:$0x3FAE]  }
0x2f: {  	lr =	sadd.s32 s0, s3;
	s0 =	sld [smem:$0x3FA5]  }
0x30: {  	s3 =	sld [smem:$0x3FA8]  }
0x31: {  	[smem:$0x3FB1] =	sst s10  }
0x32: {  	s10 =	sld [smem:$0x3FAF];
	_ =	sdelay $0x3  }
0x33: {  	p0 =	seq.s32 s10, $0x1;
	s10 =	sld [smem:$0x3FB1];
	_ =	sdelay $0x3  }
0x34: {  	[smem:$0x3FB1] =	sst s10  }
0x35: {  	s10 =	sld [smem:$0x3FB0];
	_ =	sdelay $0x3  }
0x36: {  	p1 =	seq.s32 s10, $0x1;
	s10 =	sld [smem:$0x3FB1];
	_ =	sdelay $0x3  }
0x37: {  	[smem:$0x3FB1] =	sst s10  }
0x38: {  	s10 =	sld [smem:$0x3FB2]  }
0x39: {  	_ = 	snop;
	(pc) =	sbr.ind lr, $3  }
0x3a: {  	_ = 	snop  }
0x3b: {  	_ = 	snop  }
0x3c: {  	p2 =	seq.s32 s10, $0x1;
	s10 =	sld [smem:$0x3FB1]  }
0x3d: {  	_ =	shalt  }
0x3e: {  	_ =	shalt  }
0x3f: {  	_ =	shalt  }
0x40: {  	_ =	shalt  }
0x41: {  	_ =	shalt  }
0x42: {  	_ =	shalt  }
0x43: {  	_ =	shalt  }
0x44: {  	_ =	shalt  }
0x45: {  	_ =	shalt  }
0x46: {  	_ =	shalt  }
0x47: {  	_ =	shalt  }
0x48: {  	_ =	shalt  }
0x49: {  	_ =	shalt  }
0x4a: {  	_ =	shalt  }
0x4b: {  	_ =	shalt  }
0x4c: {  	_ =	shalt  }
0x4d: {  	_ =	shalt  }
0x4e: {  	_ =	shalt  }
0x4f: {  	_ =	shalt  }
0x50: {  	_ =	shalt  }
0x51: {  	_ =	shalt  }
0x52: {  	_ =	shalt  }
0x53: {  	_ =	shalt  }
0x54: {  	_ =	shalt  }
0x55: {  	_ =	shalt  }
0x56: {  	_ =	shalt  }
0x57: {  	_ =	shalt  }
0x58: {  	_ =	shalt  }
0x59: {  	_ =	shalt  }
0x5a: {  	_ =	shalt  }
0x5b: {  	_ =	shalt  }
0x5c: {  	_ =	shalt  }
0x5d: {  	_ =	shalt  }
0x5e: {  	_ =	shalt  }
0x5f: {  	_ =	shalt  }
0x60: {  	_ =	shalt  }
0x61: {  	_ =	shalt  }
0x62: {  	_ =	shalt  }
0x63: {  	_ =	shalt  }
0x64: {  	_ =	shalt  }
0x65: {  	_ =	shalt  }
0x66: {  	_ =	shalt  }
0x67: {  	_ =	shalt  }
0x68: {  	_ =	shalt  }
0x69: {  	_ =	shalt  }
0x6a: {  	_ =	shalt  }
0x6b: {  	_ =	shalt  }
0x6c: {  	_ =	shalt  }
0x6d: {  	_ =	shalt  }
0x6e: {  	_ =	shalt  }
0x6f: {  	_ =	shalt  }
0x70: {  	_ =	shalt  }
0x71: {  	_ =	shalt  }
0x72: {  	_ =	shalt  }
0x73: {  	_ =	shalt  }
0x74: {  	_ =	shalt  }
0x75: {  	_ =	shalt  }
0x76: {  	_ =	shalt  }
0x77: {  	_ =	shalt  }
0x78: {  	_ =	shalt  }
0x79: {  	_ =	shalt  }
0x7a: {  	_ =	shalt  }
0x7b: {  	_ =	shalt  }
0x7c: {  	_ =	shalt  }
0x7d: {  	_ =	shalt  }
0x7e: {  	_ =	shalt  }
0x7f: {  	_ =	shalt  }
0x80: {  	_ =	shalt  }
0x81: {  	_ =	shalt  }
0x82: {  	_ =	shalt  }
0x83: {  	_ =	shalt  }
0x84: {  	_ =	shalt  }
0x85: {  	_ =	shalt  }
0x86: {  	_ =	shalt  }
0x87: {  	_ =	shalt  }
.Lfunc_end0:
.L_simem_size_0:
called_computation_lowered:
.L_overlay_start_0:
0x88: {  	s2 =	sld [smem:$0x3FD9]  }
0x89: {  	s3 =	sld [smem:$0x3FFE];
	_ =	sdelay $0x1  }
0x8a: {  	s1 =	srdreg.scid  }
0x8b: {  	s0 =	sand.u32 $0x1, s1  }
0x8c: {  	s16 =	sshll.u32 s0, $0xA;
	s2 =	sadd.s32 s3, s2  }
0x8d: {  	s2 =	sadd.s32 s2, s16  }
0x8e: {  	[smem:$0x3FBD] =	sst s2  }
0x8f: {  	_ = 	snop  }
0x90: {  	(tm) =	ssettm $0x1  }
0x91: {  	s17 =	sld [smem:$0x3FFB];
	_ =	sdelay $0x3  }
0x92: {  	_ =	strace s17  }
0x93: {  	s2 =	sld [smem:$0x3FFC];
	_ =	sdelay $0x3  }
0x94: {  	_ =	strace s2  }
0x95: {  	s2 =	sld [smem:$0x3FFD];
	_ =	sdelay $0x3  }
0x96: {  	_ =	strace s2  }
0x97: {  	_ =	strace $0x8FFFFFFF  }
0x98: {  	s18 =	sld [smem:$0x3FDB];
	_ =	sdelay $0x1  }
0x99: {  	s19 =	simm.s32 $_scs_section_size  }
0x9a: {  	s4 =	simm.s32 $_size__tile_overlayer_lowered;
	s5 =	simm.s32 $_tile_overlayer_lowered  }
0x9b: {  	s22 =	simm.s32 $0x1BFF;
	s21 =	sshll.u32 s5, $0x1;
	s2 =	sadd.s32 s19, s18  }
0x9c: {  	s6 =	simm.s32 $0x0;
	s20 =	sshll.u32 s4, $0x1;
	s4 =	sadd.s32 s21, s2  }
0x9d: {  	[timem:s6], [sflag:s22] =	dma.local [hbm:s4], s20  }
0x9e: {  	_ =	swait.ge [sflag:s22], s20  }
0x9f: {  	s3 =	ssub.s32 $0x0, s20;
	[sflag:s22] =	ssyncset.done $0x0  }
0xa0: {  	[sflag:s22] =	ssyncadd.s32 s3;
	_ =	sdelay $0x1  }
0xa1: {  	s23 =	simm.s32 $0x1B8B  }
0xa2: {  	_ =	swait.ge [sflag:s23], $0x1  }
0xa3: {  	[sflag:s23] =	ssyncset.done $0x0  }
0xa4: {  	s25 =	simm.s32 $0x1B8E;
	s24 =	sld [smem:$0x3FFE];
	[sflag:s23] =	ssyncadd.s32 $0xFFFFFFFF  }
0xa5: {  	s26 =	simm.s32 $execute0_lowered;
	[smem:$0x3FD2] =	sst s25  }
0xa6: {  	s4 =	sshll.u32 s26, $0x1;
	_ =	strace $0x80000046;
	[dreg:$0x1] =	wrdreg $0xFFFFFFFF  }
0xa7: {  	s28 =	simm.s32 $_size_execute0_lowered;
	s2 =	sadd.s32 s2, s4;
	[dreg:$0x0] =	wrdreg $0x0  }
0xa8: {  	s4 =	sshll.u32 s28, $0x1;
	[dreg:$0x2] =	wrdreg s2  }
0xa9: {  	[dreg:$0x3] =	wrdreg s4  }
0xaa: {  	[dreg:$0x4] =	wrdreg $0xC0  }
0xab: {  	_ =	task [dreg:s6], $0x5FFFF  }
0xac: {  	[dreg:$0x1] =	wrdreg $0xFFFFFFFF  }
0xad: {  	[dreg:$0x0] =	wrdreg $0x60  }
0xae: {  	[dreg:$0x2] =	wrdreg s24  }
0xaf: {  	[dreg:$0x3] =	wrdreg $0x83000  }
0xb0: {  	[dreg:$0x4] =	wrdreg $0x9  }
0xb1: {  	_ =	task.clear_ibuf [dreg:s6], $0x5FFFF;
	_ =	strace $0x90000046  }
0xb2: {  	s29 =	simm.s32 $0x9;
	_ =	strace $0x80000048  }
0xb3: {  	_ =	swait.ge [sflag:s29], $0x1  }
0xb4: {  	[sflag:s29] =	ssyncadd.s32 $0xFFFFFFFF  }
0xb5: {  	_ =	strace $0x90000048  }
0xb6: {  	_ =	sfence  }
0xb7: {  	s30 =	sld [smem:$0x0];
	_ =	sdelay $0x2  }
0xb8: {  	s31 =	sshll.u32 s1, $0xD;
	s1 =	sshrl.u32 s1, $0x2  }
0xb9: {  	s3 =	sand.u32 $0x4000, s31;
	s1 =	sadd.s32 s1, s30  }
0xba: {  	s0 =	sor.u32 s3, s0;
	s1 =	sshll.u32 s1, $0x11  }
0xbb: {  	s0 =	sor.u32 s1, s0  }
0xbc: {  	s0 =	sadd.s32 $0x8F2B, s0  }
0xbd: {  	[sflag:s0] =	ssyncadd.remote.s32 $0x1  }
0xbe: {  	_ =	sfence.sel $0xFFFF  }
0xbf: {  	[dreg:$0x0] =	wrdreg $0xFFFFFFFF;
	(pc) =	sbr.abs _section_cstart, $3  }
0xc0: {  	[dreg:$0x1] =	wrdreg $0xFFFFFFFF  }
0xc1: {  	_ =	task.clear_ibuf [dreg:s6], $0x2FFFF;
	_ =	strace $0x9FFFFFFF  }
0xc2: {  	(tm) =	ssettm $0x7FFFFFFF  }
0xc3: {  	_ =	shalt  }
tec
execute0_lowered:
.L_overlay_start_1:
0x0: {  	(tag) =	ssettag $0x1  }
0x1: {  	s0 =	rddreg [dreg:$0x0]  }
0x2: {  	s2 =	rddreg [dreg:$0x1]  }
0x3: {  	s1 =	stileid.u32;
	s4 =	srdreg.scid  }
0x4: {  	s3 =	simm.s32 $0x0;
	s14 =	simm.s32 $0x4;
	s16 =	simm.s32 $0x2  }
0x5: {  	s17 =	simm.s32 $0x80;
	s18 =	simm.s32 $0x3;
	s5 =	smul.u32 $0x14000, s1  }
0x6: {  	s19 =	simm.s32 $0x0;
	s6 =	sand.u32 $0x1, s4;
	s9 =	smul.u32 $0x1F, s1  }
0x7: {  	[smem:$0x7FF] =	sst s3;
	s4 =	sadd.s32 $0x13C00, s0;
	s11 =	smul.u32 $0x7F, s1  }
0x8: {  	s28 =	sshll.u32 s1, $0x6;
	s7 =	smul.u32 $0x140000, s6;
	_ =	strace $0x80000047  }
0x9: {  	s25 =	ssub.s32 $0x2, s6;
	p0 =	seq.s32 s6, $0x0;
	s8 =	sshrl.u32 s5, $0x3  }
0xa: {  	s12 =	sshrl.u32 s25, $0x1;
	s6 =	sadd.s32 $0x7F0, s9;
	s13 =	sadd.s32 s5, s2  }
0xb: {  	s7 =	sadd.s32 s5, s7;
	s8 =	sadd.s32 s8, s0;
	s12 =	ssub.s32 s25, s12  }
0xc: {  	s6 =	smov.u32 @p0 s11;
	s13 =	sshrl.u32 s13, $0x3;
	s7 =	sshrl.u32 s7, $0x3  }
0xd: {  	s26 =	sadd.s32 $0x3BC00, s8;
	s29 =	sshll.u32 s6, $0x5;
	s6 =	sor.u32 $0x1C04, s28  }
0xe: {  	s31 =	smax.u32 s12, $0x1;
	[dreg:$0x3] =	wrdreg s26;
	s8 =	sadd.s32 s0, s29  }
0xf: {  	s10 =	sadd.s32 s7, s0;
	[dreg:$0x6] =	wrdreg s31;
	s0 =	sadd.s32 $0x20, s8  }
0x10: {  	s7 =	simm.s32 $0x7F;
	s30 =	sadd.s32 $0x63C00, s10;
	[dreg:$0x4] =	wrdreg s0  }
0x11: {  	s7 =	simm.s32 @!p0 $0x1F;
	s12 =	sadd.s32 $0x40, s8;
	[dreg:$0x5] =	wrdreg s30  }
.LBB2_1:
0x12: {  	s0 =	rddreg [dreg:$0x3];
	s15 =	simm.s32 $0x1;
	s1 =	simm.s32 $0x300  }
0x13: {  	s26 =	simm.s32 $0x100;
	s22 =	smulhi.u32 $0xAAAAAAAB, s3;
	s20 =	simm.s32 $0x1  }
0x14: {  	[spmem:s13], [sflag:s6] =	dma.local [hbm:s0], $0x2800  }
0x15: {  	p0 =	sne.s32 s7, $0x1;
	s21 =	simm.s32 $0x3;
	_ =	swait.ge [sflag:s14], $0x2800  }
0x16: {  	s23 =	sadd.s32 $0x20, s12;
	s29 =	smulhi.u32 $0xAAAAAAAB, s16;
	[sflag:s14] =	ssyncset.done $0x0  }
0x17: {  	s30 =	sand.u32 $0x10000, s3;
	p1 =	por $0x1, $0x1;
	[sflag:s14] =	ssyncadd.s32 $0xFFFFD800  }
0x18: {  	p2 =	sle.u32 s7, $0x2;
	s30 =	sshrl.u32 s30, $0x2;
	[bflag:$0x0] =	sbarrier.arrive $0xFFFF  }
0x19: {  	[tilespmem:s3], [sflag:$0x1] =	stream.linear.gather [hbm4b:s8+s3], $0x100, $0x38;
	[tilespmem:$0x1C300] =	vst v63  }
0x1a: {  	s31 =	simm.s32 @!p1 $0x3;
	s0 =	smulhi.u32 $0xAAAAAAAB, s15;
	_ =	swait.ge [sflag:s15], $0x100  }
0x1b: {  	s24 =	sshrl.u32 s22, $0x1;
	s22 =	simm.s32 $0x180;
	[sflag:s15] =	ssyncset.done $0x0  }
0x1c: {  	s29 =	sshrl.u32 s29, $0x1;
	s30 =	sor.u32 $0x300, s30;
	[sflag:s15] =	ssyncadd.s32 $0xFFFFFF00  }
0x1d: {  	[tilespmem:s1], [sflag:$0x2] =	stream.indirect.gather [hbm4b:s4+s17], $0x80, s3, s17, $0xb8;
	[tilespmem:$0x1C300] =	vst v63  }
0x1e: {  	s28 =	smul.u32 $0xFFFFF400, s24;
	s24 =	simm.s32 $0x300;
	s25 =	rddreg [dreg:$0x4]  }
0x1f: {  	[tilespmem:s26], [sflag:$0x1] =	stream.linear.gather [hbm4b:s25+s3], $0x100, $0x38;
	[tilespmem:$0x1C300] =	vst v63  }
0x20: {  	s29 =	smul.u32 $0xFFFFF400, s29;
	s0 =	sshrl.u32 s0, $0x1;
	_ =	swait.ge [sflag:s16], $0x4000  }
0x21: {  	s0 =	smul.u32 $0xFFFFF400, s0;
	s28 =	sshra.s32 s28, $0x2;
	[sflag:s16] =	ssyncset.done $0x0  }
0x22: {  	s29 =	sshra.s32 s29, $0x2;
	s28 =	sadd.s32 $0x80, s28;
	[sflag:s16] =	ssyncadd.s32 $0xFFFFC000  }
0x23: {  	[spmem:s2] =	stream.indirect.scatter.add.f32 [tilespmem:s30], [sflag:$0x3], $0x80, s28, s17, $0xb8;
	[tilespmem:$0x1C300] =	vst v63  }
.Ltmp0:
0x24: {  	s29 =	sadd.s32 $0x200, s29;
	_ =	swait.ge @!p1 [sflag:s31], $0x4000;
	(pc) =	sbr.rel @!p0 .LBB2_3-.Ltmp0, $4  }
0x25: {  	s25 =	simm.s32 $0x2;
	s28 =	simm.s32 $0x10000;
	[sflag:s31] =	ssyncset.done @!p1 $0x0  }
0x26: {  	s30 =	simm.s32 @!p2 $0x0;
	[sflag:s31] =	ssyncadd.s32 @!p1 $0xFFFFC000;
	p1 =	sle.u32 s7, $0x1  }
0x27: {  	[tilespmem:s29], [sflag:$0x1] =	stream.linear.gather @!p2 [hbm4b:s12+s30], $0x100, $0x38;
	[tilespmem:$0x1C300] =	vst v63  }
0x28: {  	s29 =	simm.s32 $0x200;
	s31 =	simm.s32 @!p1 $0x1;
	s30 =	simm.s32 $0x0  }
.LBB2_2:
0x29: {  	s0 =	sshra.s32 s0, $0x2;
	_ =	swait.ge @!p1 [sflag:s31], $0x100;
	s1 =	smov.u32 s20  }
0x2a: {  	s20 =	sadd.s32 $0x1, s20;
	s15 =	smov.u32 s21;
	s5 =	smov.u32 s22  }
0x2b: {  	s0 =	sadd.s32 s0, s26;
	[sflag:s31] =	ssyncset.done @!p1 $0x0;
	s26 =	sxor.u32 @!p1 $0xFFFFFFFF, s30  }
0x2c: {  	p0 =	sne.s32 s20, s7;
	[sflag:s31] =	ssyncadd.s32 @!p1 $0xFFFFFF00;
	s26 =	sand.u32 @!p1 $0x10000, s26  }
0x2d: {  	s9 =	smov.u32 s23;
	s30 =	simm.s32 @!p1 $0x80;
	s26 =	sshrl.u32 @!p1 s26, $0x2  }
0x2e: {  	s10 =	smov.u32 s25;
	s31 =	smov.u32 s24;
	s26 =	sor.u32 @!p1 $0x300, s26  }
0x2f: {  	[tilespmem:s26], [sflag:$0x2] =	stream.indirect.gather @!p1 [hbm4b:s4+s30], $0x80, s0, s30, $0xb8;
	[tilespmem:$0x1C300] =	vst v63  }
0x30: {  	s0 =	smulhi.u32 $0xAAAAAAAB, s1;
	s30 =	smov.u32 s28;
	s26 =	smov.u32 s29  }
0x31: {  	s21 =	sadd.s32 $0x1, s21;
	s22 =	sadd.s32 $0x100, s22  }
0x32: {  	s23 =	sadd.s32 $0x20, s23;
	s24 =	sadd.s32 $0x100, s24;
	s0 =	sshrl.u32 s0, $0x1  }
0x33: {  	s25 =	sadd.s32 $0x1, s25;
	s28 =	sadd.s32 $0x10000, s28;
	s0 =	smul.u32 $0xFFFFF400, s0  }
0x34: {  	s15 =	smulhi.u32 $0xAAAAAAAB, s15;
	s11 =	sand.u32 $0x10000, s30;
	_ =	swait.ge [sflag:s16], $0x4000  }
0x35: {  	s11 =	sshrl.u32 s11, $0x2;
	s0 =	sshra.s32 s0, $0x2;
	[sflag:s16] =	ssyncset.done $0x0  }
0x36: {  	s15 =	sshrl.u32 s15, $0x1;
	s0 =	sadd.s32 s0, s5;
	[sflag:s16] =	ssyncadd.s32 $0xFFFFC000  }
0x37: {  	p2 =	seq.s32 s30, $0x0;
	s11 =	sor.u32 $0x300, s11;
	s5 =	smul.u32 $0xFFFFF400, s15  }
0x38: {  	s10 =	smulhi.u32 $0xAAAAAAAB, s10;
	s1 =	sadd.s32 $0x2, s1;
	s15 =	simm.s32 @!p2 $0x3  }
0x39: {  	s29 =	sadd.s32 $0x100, s29;
	p3 =	sge.u32 s1, s7;
	s5 =	sshra.s32 s5, $0x2  }
0x3a: {  	[spmem:s2] =	stream.indirect.scatter.add.f32 [tilespmem:s11], [sflag:$0x3], $0x80, s0, s17, $0xb8;
	[tilespmem:$0x1C300] =	vst v63  }
.Ltmp1:
0x3b: {  	_ = 	snop;
	(pc) =	sbr.rel @p0 .LBB2_2-.Ltmp1, $4  }
0x3c: {  	s1 =	sadd.s32 s5, s31;
	s5 =	simm.s32 @!p3 $0x0;
	_ =	swait.ge @!p2 [sflag:s15], $0x4000  }
0x3d: {  	p1 =	sge.u32 s20, s7;
	s0 =	sshrl.u32 s10, $0x1;
	[sflag:s15] =	ssyncset.done @!p2 $0x0  }
0x3e: {  	s31 =	simm.s32 @!p1 $0x1;
	s0 =	smul.u32 $0xFFFFF400, s0;
	[sflag:s15] =	ssyncadd.s32 @!p2 $0xFFFFC000  }
0x3f: {  	[tilespmem:s1], [sflag:$0x1] =	stream.linear.gather @!p3 [hbm4b:s9+s5], $0x100, $0x38;
	[tilespmem:$0x1C300] =	vst v63  }
.LBB2_3:
0x40: {  	s1 =	sxor.u32 @!p1 $0xFFFFFFFF, s30  }
0x41: {  	s0 =	sshra.s32 s0, $0x2;
	_ =	swait.ge @!p1 [sflag:s31], $0x100;
	s1 =	sand.u32 @!p1 $0x10000, s1  }
0x42: {  	s5 =	simm.s32 @!p1 $0x80;
	[sflag:s31] =	ssyncset.done @!p1 $0x0;
	s1 =	sshrl.u32 @!p1 s1, $0x2  }
0x43: {  	s0 =	sadd.s32 s0, s26;
	[sflag:s31] =	ssyncadd.s32 @!p1 $0xFFFFFF00;
	s1 =	sor.u32 @!p1 $0x300, s1  }
0x44: {  	[tilespmem:s1], [sflag:$0x2] =	stream.indirect.gather @!p1 [hbm4b:s4+s5], $0x80, s0, s5, $0xb8;
	[tilespmem:$0x1C300] =	vst v63  }
0x45: {  	_ =	swait.ge [sflag:s18], $0x4000  }
0x46: {  	[sflag:s18] =	ssyncset.done $0x0  }
0x47: {  	[sflag:s18] =	ssyncadd.s32 $0xFFFFC000  }
0x48: {  	[bflag:$0x0] =	sbarrier.arrive $0xFFFF  }
0x49: {  	s30 =	rddreg [dreg:$0x5]  }
0x4a: {  	[hbm:s30], [sflag:s6] =	dma.local [spmem:s13], $0x2800  }
0x4b: {  	_ =	swait.ge [sflag:s14], $0x2800  }
0x4c: {  	s19 =	sadd.s32 $0x1, s19;
	s31 =	rddreg [dreg:$0x6]  }
0x4d: {  	p0 =	sne.s32 s19, s31  }
.Ltmp2:
0x4e: {  	_ = 	snop;
	(pc) =	sbr.rel @p0 .LBB2_1-.Ltmp2, $3  }
0x4f: {  	_ =	sdelay $0x1  }
0x50: {  	[sflag:s14] =	ssyncset.done $0x0  }
0x51: {  	[sflag:s14] =	ssyncadd.s32 $0xFFFFD800  }
0x52: {  	_ =	sfence.sel $0x180000  }
0x53: {  	[bflag:$0x0] =	sbarrier.arrive $0xFFFF  }
0x54: {  	_ =	strace $0x90000047  }
0x55: {  	s0 =	stileid.u32;
	[bflag:$0x2] =	sbarrier.arrive $0xFFFF  }
0x56: {  	p0 =	sne.s32 s0, $0x0;
	s0 =	rddreg [dreg:$0x2]  }
0x57: {  	s0 =	sadd.s32 @!p0 $0x100000, s0  }
0x58: {  	[sflag:s0] =	ssyncadd.tile.s32 @!p0 $0x1;
	_ =	shalt  }
.Lfunc_end2:
_tile_overlayer_lowered:
.L_overlay_start_2:
0x59: {  	(tag) =	ssettag $0x2  }
0x5a: {  	s0 =	rddreg [dreg:$0x0];
	s2 =	stileid.u32  }
0x5b: {  	s1 =	rddreg [dreg:$0x1];
	p0 =	sne.s32 s2, $0x0  }
0x5c: {  	s3 =	rddreg [dreg:$0x2];
	[bflag:$0x3] =	sbarrier.arrive $0xFFFF;
	s2 =	simm.s32 @!p0 $0x1C04  }
0x5d: {  	[timem:s3], [sflag:s2] =	dma.local @!p0 [hbm:s0], s1  }
0x5e: {  	s0 =	simm.s32 @!p0 $0x4  }
0x5f: {  	_ =	swait.ge @!p0 [sflag:s0], s1  }
0x60: {  	s1 =	ssub.s32 @!p0 $0x0, s1;
	[sflag:s0] =	ssyncset.done @!p0 $0x0  }
0x61: {  	[sflag:s0] =	ssyncadd.s32 @!p0 s1  }
0x62: {  	[bflag:$0x3] =	sbarrier.arrive $0xFFFF  }
0x63: {  	_ =	shalt  }

</sc_bundles>
